<compile_context>
chip_gen: v7x
topology: tpu7x:2x2x1
jax: 0.10.2.dev20260603
libtpu: 0.0.44.dev20260713+nightly
codegen_flags: <defaults>
</compile_context>

<pallas_src>
import functools

import jax
import jax.numpy as jnp
from jax import lax
from jax.experimental import pallas as pl
from jax.experimental.pallas import tpu as pltpu
from jax.experimental.pallas import tpu_sc as plsc

L = 16
NC = 2
NS = 16
NPART = 4
CHUNK = 1600
GW = 128
STG = 1664
COMB = 10000


def _build(B, N, E):
    e_per_tile = E // NPART
    nchunk = e_per_tile // CHUNK
    assert e_per_tile % CHUNK == 0 and nchunk % 2 == 0
    assert N % COMB == 0 and COMB % L == 0 and CHUNK % L == 0

    mesh = plsc.VectorSubcoreMesh(
        core_axis_name="c", subcore_axis_name="s",
        num_cores=NC, num_subcores=NS)

    @functools.partial(
        pl.kernel,
        out_type=jax.ShapeDtypeStruct((B * N,), jnp.float32),
        mesh=mesh,
        compiler_params=pltpu.CompilerParams(needs_layout_passes=False),
        scratch_types=[
            pltpu.VMEM((N,), jnp.float32),
            pltpu.VMEM((CHUNK,), jnp.int32),
            pltpu.VMEM((CHUNK,), jnp.int32),
            pltpu.VMEM((CHUNK,), jnp.int32),
            pltpu.VMEM((CHUNK,), jnp.int32),
            pltpu.VMEM((CHUNK,), jnp.int32),
            pltpu.VMEM((CHUNK,), jnp.int32),
            pltpu.VMEM((CHUNK,), jnp.float32),
            pltpu.VMEM((CHUNK,), jnp.float32),
            pltpu.VMEM((STG,), jnp.int32),
            pltpu.VMEM((STG,), jnp.int32),
            pltpu.VMEM((STG,), jnp.float32),
            pltpu.VMEM((STG,), jnp.float32),
            pltpu.VMEM((COMB,), jnp.float32),
            pltpu.VMEM((L,), jnp.int32),
            pltpu.HBM((NS * N,), jnp.float32),
            pltpu.SemaphoreType.DMA,
            pltpu.SemaphoreType.DMA,
            pltpu.SemaphoreType.DMA,
        ],
    )
    def traverse(h_hbm, w_hbm, hd_hbm, tl_hbm, ty_hbm, r_hbm, out_hbm,
                 out_v, hb0, hb1, tb0, tb1, yb0, yb1, wb0, wb1,
                 sh, st, sw, gb, cb, rv, pub,
                 sem_a, sem_b, sem_g):
        hb = (hb0, hb1)
        tb = (tb0, tb1)
        yb = (yb0, yb1)
        wb = (wb0, wb1)
        c = lax.axis_index("c")
        s = lax.axis_index("s")
        b = c * (B // NC) + s // NPART
        part = s % NPART
        ebase = part * e_per_tile
        sems = (sem_a, sem_b)

        iot = lax.broadcasted_iota(jnp.int32, (L,), 0)

        pltpu.sync_copy(r_hbm, rv)
        r_all = rv[...]
        rvec = lax.gather(
            r_all,
            jnp.full((L, 1), b, dtype=jnp.int32),
            lax.GatherDimensionNumbers(
                offset_dims=(), collapsed_slice_dims=(0,),
                start_index_map=(0,)),
            slice_sizes=(1,),
            mode=lax.GatherScatterMode.PROMISE_IN_BOUNDS)
        bofs = jnp.full((L,), b * N, dtype=jnp.int32)

        zf = jnp.zeros((L,), jnp.float32)
        zi = jnp.zeros((L,), jnp.int32)

        def init_out(i, _):
            out_v[pl.ds(i * L, L)] = zf
            return 0
        lax.fori_loop(0, N // L, init_out, 0)

        def init_stage(i, _):
            sh[pl.ds(i * L, L)] = zi
            st[pl.ds(i * L, L)] = zi
            return 0
        lax.fori_loop(0, STG // L, init_stage, 0)

        def start_edges(i, slot):
            off = ebase + i * CHUNK
            pltpu.make_async_copy(hd_hbm.at[pl.ds(off, CHUNK)], hb[slot], sems[slot]).start()
            pltpu.make_async_copy(tl_hbm.at[pl.ds(off, CHUNK)], tb[slot], sems[slot]).start()
            pltpu.make_async_copy(ty_hbm.at[pl.ds(off, CHUNK)], yb[slot], sems[slot]).start()
            pltpu.make_async_copy(w_hbm.at[pl.ds(off, CHUNK)], wb[slot], sems[slot]).start()

        def wait_edges(slot):
            pltpu.make_async_copy(hd_hbm.at[pl.ds(0, CHUNK)], hb[slot], sems[slot]).wait()
            pltpu.make_async_copy(tl_hbm.at[pl.ds(0, CHUNK)], tb[slot], sems[slot]).wait()
            pltpu.make_async_copy(ty_hbm.at[pl.ds(0, CHUNK)], yb[slot], sems[slot]).wait()
            pltpu.make_async_copy(w_hbm.at[pl.ds(0, CHUNK)], wb[slot], sems[slot]).wait()

        def process(slot):
            hbs, tbs, ybs, wbs = hb[slot], tb[slot], yb[slot], wb[slot]

            def scan_body(k, cnt):
                sl = pl.ds(k * L, L)
                m = ybs[sl] == rvec
                pc = plsc.all_reduce_population_count(m)
                if getattr(pc, "ndim", 0):
                    pc = pc[0]

                @pl.when(pc > 0)
                def _():
                    plsc.store_compressed(sh.at[pl.ds(cnt, L)], hbs[sl] + bofs, mask=m)
                    plsc.store_compressed(st.at[pl.ds(cnt, L)], tbs[sl], mask=m)
                    plsc.store_compressed(sw.at[pl.ds(cnt, L)], wbs[sl], mask=m)

                return cnt + pc

            cnt = lax.fori_loop(0, CHUNK // L, scan_body, jnp.int32(0))

            nstream = (cnt + (GW - 1)) // GW

            def fire(k, _):
                pltpu.make_async_copy(
                    h_hbm.at[sh.at[pl.ds(k * GW, GW)]],
                    gb.at[pl.ds(k * GW, GW)], sem_g).start()
                return 0
            lax.fori_loop(0, nstream, fire, 0)

            def drain(k, _):
                pltpu.make_async_copy(
                    h_hbm.at[sh.at[pl.ds(k * GW, GW)]],
                    gb.at[pl.ds(k * GW, GW)], sem_g).wait()
                return 0
            lax.fori_loop(0, nstream, drain, 0)

            cntv = jnp.full((L,), cnt, dtype=jnp.int32)
            nvec = (cnt + (L - 1)) // L

            def smax(k, _):
                sl = pl.ds(k * L, L)
                t = st[sl]
                valid = (iot + k * L) < cntv
                v = jnp.where(valid, sw[sl] * gb[sl], -1.0)
                cur = plsc.load_gather(out_v, [t])

                def unsat(cu):
                    n = plsc.all_reduce_population_count(v > cu)
                    if getattr(n, "ndim", 0):
                        n = n[0]
                    return n > 0

                def wbody(cu):
                    plsc.store_scatter(out_v, [t], v, mask=v > cu)
                    return plsc.load_gather(out_v, [t])

                lax.while_loop(unsat, wbody, cur)
                return 0
            lax.fori_loop(0, nvec, smax, 0)

        start_edges(0, 0)

        def chunk_loop(j, _):
            i1 = 2 * j + 1
            start_edges(i1, 1)
            wait_edges(0)
            process(0)
            start_edges(jnp.minimum(i1 + 1, nchunk - 1), 0)
            wait_edges(1)
            process(1)
            return 0
        lax.fori_loop(0, nchunk // 2, chunk_loop, 0)
        wait_edges(0)

        def absorb(src_row):
            def comb_loop(q, _):
                pltpu.sync_copy(pub.at[pl.ds(src_row * N + q * COMB, COMB)], cb)

                def vmax(k, _):
                    dsl = pl.ds(q * COMB + k * L, L)
                    out_v[dsl] = jnp.maximum(out_v[dsl], cb[pl.ds(k * L, L)])
                    return 0
                lax.fori_loop(0, COMB // L, vmax, 0)
                return 0
            lax.fori_loop(0, N // COMB, comb_loop, 0)

        slot1 = c * (NS // 2) + s // 2

        @pl.when(part % 2 == 1)
        def _():
            pltpu.sync_copy(out_v, pub.at[pl.ds(slot1 * N, N)])
        plsc.subcore_barrier()

        @pl.when(part % 2 == 0)
        def _():
            absorb(slot1)
        plsc.subcore_barrier()

        @pl.when(part == 2)
        def _():
            pltpu.sync_copy(out_v, pub.at[pl.ds(slot1 * N, N)])
        plsc.subcore_barrier()

        @pl.when(part == 0)
        def _():
            absorb(slot1 + 1)
            pltpu.sync_copy(out_v, out_hbm.at[pl.ds(b * N, N)])

    return traverse


def kernel(h_prob, edge_weight, edge_index, edge_type, r_index):
    B, N = h_prob.shape
    E = edge_type.shape[0]
    heads = edge_index[0]
    tails = edge_index[1]
    hflat = h_prob.reshape(-1)
    r_pad = jnp.zeros((L,), jnp.int32).at[:B].set(r_index)
    fn = _build(B, N, E)
    out = fn(hflat, edge_weight, heads, tails, edge_type, r_pad)
    return out.reshape(B, N)

# --- scband reference (transcript-rebuilt; emitter-appended) ---
"""Pipeline reference for scband-symbolic-traversal-8443905704284 (READ-ONLY COPY).

The authoritative reference and input builder live on the scoring server;
editing this copy changes nothing except your own understanding.
"""

import jax, jax.numpy as jnp
import numpy as np

N_NODES = 100000
N_EDGES = 3200000
N_REL = 64
BATCH = 8


def setup_inputs(seed: int = 0):
    key = jax.random.key(seed)
    k1, k2, k3, k4, k5 = jax.random.split(key, 5)
    h_prob = jax.random.uniform(k1, (BATCH, N_NODES), dtype=jnp.float32)
    edge_weight = jax.random.uniform(k2, (N_EDGES,), dtype=jnp.float32)
    edge_index = jax.random.randint(k3, (2, N_EDGES), 0, N_NODES, dtype=jnp.int32)
    edge_type = jax.random.randint(k4, (N_EDGES,), 0, N_REL, dtype=jnp.int32)
    r_index = jax.random.randint(k5, (BATCH,), 0, N_REL, dtype=jnp.int32)
    return {
        "h_prob": h_prob,
        "edge_weight": edge_weight,
        "edge_index": edge_index,
        "edge_type": edge_type,
        "r_index": r_index,
    }


def reference(h_prob, edge_weight, edge_index, edge_type, r_index):
    # Symbolic traversal: for each batch query b with relation r_index[b],
    # select edges whose relation matches, build adjacency A[h, t] = w,
    # then t_prob[b, t] = max over matching edges (h -> t) of w * h_prob[b, h],
    # clamped to min 0 (max-product semiring spmm, as in generalized_spmm(sum='max')).
    heads = edge_index[0]
    tails = edge_index[1]
    num_nodes = h_prob.shape[1]

    def per_batch(hp, r):
        mask = (edge_type == r)
        msg = edge_weight * jnp.take(hp, heads)  # gather over head nodes
        vals = jnp.where(mask, msg, -jnp.inf)    # edges not matching relation r are identity for max
        t = jax.ops.segment_max(vals, tails, num_segments=num_nodes)  # scatter-max over tail nodes
        return jnp.clip(t, 0.0, None)            # clamp(min=0); also zeroes empty segments (-inf)

    t_prob = jax.vmap(per_batch, in_axes=(0, 0))(h_prob, r_index)
    return t_prob

if __name__ == "__main__":
    import jax
    _d = setup_inputs()
    print(jax.jit(kernel)(*tuple(_d.values())))

</pallas_src>

<mosaic_0001>
#map = affine_map<(d0, d1) -> (0)>
module attributes {stable_mosaic.version = 14 : i64} {
  func.func @traverse(%arg0: i32, %arg1: i32, %arg2: memref<800000xf32, #tpu.memory_space<hbm>>, %arg3: memref<3200000xf32, #tpu.memory_space<hbm>>, %arg4: memref<3200000xi32, #tpu.memory_space<hbm>>, %arg5: memref<3200000xi32, #tpu.memory_space<hbm>>, %arg6: memref<3200000xi32, #tpu.memory_space<hbm>>, %arg7: memref<16xi32, #tpu.memory_space<hbm>>, %arg8: memref<800000xf32, #tpu.memory_space<hbm>>, %arg9: memref<100000xf32, #tpu.memory_space<vmem>>, %arg10: memref<1600xi32, #tpu.memory_space<vmem>>, %arg11: memref<1600xi32, #tpu.memory_space<vmem>>, %arg12: memref<1600xi32, #tpu.memory_space<vmem>>, %arg13: memref<1600xi32, #tpu.memory_space<vmem>>, %arg14: memref<1600xi32, #tpu.memory_space<vmem>>, %arg15: memref<1600xi32, #tpu.memory_space<vmem>>, %arg16: memref<1600xf32, #tpu.memory_space<vmem>>, %arg17: memref<1600xf32, #tpu.memory_space<vmem>>, %arg18: memref<1664xi32, #tpu.memory_space<vmem>>, %arg19: memref<1664xi32, #tpu.memory_space<vmem>>, %arg20: memref<1664xf32, #tpu.memory_space<vmem>>, %arg21: memref<1664xf32, #tpu.memory_space<vmem>>, %arg22: memref<10000xf32, #tpu.memory_space<vmem>>, %arg23: memref<16xi32, #tpu.memory_space<vmem>>, %arg24: memref<1600000xf32, #tpu.memory_space<hbm>>, %arg25: memref<!tpu.dma_semaphore, #tpu.memory_space<semaphore_mem>>, %arg26: memref<!tpu.dma_semaphore, #tpu.memory_space<semaphore_mem>>, %arg27: memref<!tpu.dma_semaphore, #tpu.memory_space<semaphore_mem>>) attributes {dimension_semantics = [#tpu.dimension_semantics<core_parallel>, #tpu.dimension_semantics<subcore_parallel>], iteration_bounds = array<i64: 2, 16>, scalar_prefetch = 0 : i64, scratch_operands = 19 : i64, tpu.core_type = #tpu.core_type<sc_vector_subcore>, window_params = [{transform_indices = #map}, {transform_indices = #map}, {transform_indices = #map}, {transform_indices = #map}, {transform_indices = #map}, {transform_indices = #map}, {transform_indices = #map}]} {
    %mul3A = arith.constant 4 : i32
    %mul3A_0 = arith.muli %arg0, %mul3A : i32
    %jit3A = arith.constant 4 : i32
    %div3A = arith.divsi %arg1, %jit3A : i32
    %sign3A = arith.constant 0 : i32
    %sign3A_1 = arith.cmpi sgt, %arg1, %sign3A : i32
    %sign3A_2 = arith.extui %sign3A_1 : i1 to i32
    %sign3A_3 = arith.constant 0 : i32
    %sign3A_4 = arith.cmpi slt, %arg1, %sign3A_3 : i32
    %sign3A_5 = arith.extui %sign3A_4 : i1 to i32
    %sign3A_6 = arith.subi %sign3A_2, %sign3A_5 : i32
    %sign3A_7 = arith.constant 0 : i32
    %sign3A_8 = arith.cmpi sgt, %jit3A, %sign3A_7 : i32
    %sign3A_9 = arith.extui %sign3A_8 : i1 to i32
    %sign3A_10 = arith.constant 0 : i32
    %sign3A_11 = arith.cmpi slt, %jit3A, %sign3A_10 : i32
    %sign3A_12 = arith.extui %sign3A_11 : i1 to i32
    %sign3A_13 = arith.subi %sign3A_9, %sign3A_12 : i32
    %ne3A = arith.cmpi ne, %sign3A_6, %sign3A_13 : i32
    %rem3A = arith.remsi %arg1, %jit3A : i32
    %ne3A_14 = arith.constant 0 : i32
    %ne3A_15 = arith.cmpi ne, %rem3A, %ne3A_14 : i32
    %and3A = arith.andi %ne3A, %ne3A_15 : i1
    %sub3A = arith.constant 1 : i32
    %sub3A_16 = arith.subi %div3A, %sub3A : i32
    %select_n3A = arith.select %and3A, %sub3A_16, %div3A : i32
    %add3A = arith.addi %mul3A_0, %select_n3A : i32
    %jit3A_17 = arith.constant 4 : i32
    %eq3A = arith.constant 0 : i32
    %eq3A_18 = arith.cmpi eq, %jit3A_17, %eq3A : i32
    %jit3A_19 = arith.constant 1 : i32
    %select_n3A_20 = arith.select %eq3A_18, %jit3A_19, %jit3A_17 : i32
    %rem3A_21 = arith.remsi %arg1, %select_n3A_20 : i32
    %ne3A_22 = arith.constant 0 : i32
    %ne3A_23 = arith.cmpi ne, %rem3A_21, %ne3A_22 : i32
    %lt3A = arith.constant 0 : i32
    %lt3A_24 = arith.cmpi slt, %rem3A_21, %lt3A : i32
    %lt3A_25 = arith.constant 0 : i32
    %lt3A_26 = arith.cmpi slt, %select_n3A_20, %lt3A_25 : i32
    %ne3A_27 = arith.xori %lt3A_24, %lt3A_26 : i1
    %and3A_28 = arith.andi %ne3A_27, %ne3A_23 : i1
    %add3A_29 = arith.addi %rem3A_21, %select_n3A_20 : i32
    %select_n3A_30 = arith.select %and3A_28, %add3A_29, %rem3A_21 : i32
    %mul3A_31 = arith.constant 800000 : i32
    %mul3A_32 = arith.muli %select_n3A_30, %mul3A_31 : i32
    %iota3A = tpu.iota {dimensions = array<i32: 0>} : vector<16xi32>
    "tpu.region"() ({
      %run_scoped3A = tpu.sem_alloc : memref<!tpu.dma_semaphore, #tpu.memory_space<semaphore_mem>>
      tpu.enqueue_dma source(%arg7 : memref<16xi32, #tpu.memory_space<hbm>>) target(%arg23 : memref<16xi32, #tpu.memory_space<vmem>>) target_semaphore(%run_scoped3A : memref<!tpu.dma_semaphore, #tpu.memory_space<semaphore_mem>>)
      tpu.wait_dma2 semaphore(%run_scoped3A : memref<!tpu.dma_semaphore, #tpu.memory_space<semaphore_mem>>) src(%arg7 : memref<16xi32, #tpu.memory_space<hbm>>) dst(%arg23 : memref<16xi32, #tpu.memory_space<vmem>>)
      tpu.yield
    }) : () -> ()
    %get3A = arith.constant 0 : index
    %get3A_33 = tpu.vector_load %arg23[%get3A] {strides = array<i32>} : memref<16xi32, #tpu.memory_space<vmem>>, vector<16xi32>,
    %broadcast_in_dim3A = vector.broadcast %add3A : i32 to vector<16x1xi32>
    %gather3A = vector.shape_cast %broadcast_in_dim3A : vector<16x1xi32> to vector<16xi32>
    %gather3A_34 = tpu.dynamic_gather %get3A_33[%gather3A] in [0] : vector<16xi32>, vector<16xi32> -> vector<16xi32>
    %mul3A_35 = arith.constant 100000 : i32
    %mul3A_36 = arith.muli %add3A, %mul3A_35 : i32
    %broadcast_in_dim3A_37 = vector.broadcast %mul3A_36 : i32 to vector<16xi32>
    %broadcast_in_dim3A_38 = arith.constant 0.000000e+00 : f32
    %broadcast_in_dim3A_39 = vector.broadcast %broadcast_in_dim3A_38 : f32 to vector<16xf32>
    %broadcast_in_dim3A_40 = arith.constant 0 : i32
    %broadcast_in_dim3A_41 = vector.broadcast %broadcast_in_dim3A_40 : i32 to vector<16xi32>
    %scan3A = arith.constant 0 : i32
    %scan3A_42 = arith.constant 0 : i32
    %scan3A_43 = arith.constant 6250 : i32
    %scan3A_44 = arith.addi %scan3A_42, %scan3A_43 : i32
    %scan3A_45 = arith.constant 1 : i32
    %scan3A_46 = scf.for %scan3A_165 = %scan3A_42 to %scan3A_44 step %scan3A_45 iter_args(%scan3A_166 = %scan3A) -> (i32)  : i32 {
      %mul3A_167 = arith.constant 16 : i32
      %mul3A_168 = arith.muli %scan3A_165, %mul3A_167 : i32
      %swap3A = arith.index_cast %mul3A_168 : i32 to index
      %swap3A_169 = tpu.vector_load %arg9[%swap3A] {strides = array<i32>} : memref<100000xf32, #tpu.memory_space<vmem>>, vector<16xf32>,
      tpu.vector_store %arg9[%swap3A], %broadcast_in_dim3A_39 {strides = array<i32>} : memref<100000xf32, #tpu.memory_space<vmem>>, vector<16xf32>,
      %scan3A_170 = arith.constant 0 : i32
      scf.yield %scan3A_170 : i32
    }
    %scan3A_47 = arith.constant 6250 : i32
    %scan3A_48 = arith.constant 0 : i32
    %scan3A_49 = arith.constant 0 : i32
    %scan3A_50 = arith.constant 104 : i32
    %scan3A_51 = arith.addi %scan3A_49, %scan3A_50 : i32
    %scan3A_52 = arith.constant 1 : i32
    %scan3A_53 = scf.for %scan3A_165 = %scan3A_49 to %scan3A_51 step %scan3A_52 iter_args(%scan3A_166 = %scan3A_48) -> (i32)  : i32 {
      %mul3A_167 = arith.constant 16 : i32
      %mul3A_168 = arith.muli %scan3A_165, %mul3A_167 : i32
      %swap3A = arith.index_cast %mul3A_168 : i32 to index
      %swap3A_169 = tpu.vector_load %arg18[%swap3A] {strides = array<i32>} : memref<1664xi32, #tpu.memory_space<vmem>>, vector<16xi32>,
      tpu.vector_store %arg18[%swap3A], %broadcast_in_dim3A_41 {strides = array<i32>} : memref<1664xi32, #tpu.memory_space<vmem>>, vector<16xi32>,
      %mul3A_170 = arith.constant 16 : i32
      %mul3A_171 = arith.muli %scan3A_165, %mul3A_170 : i32
      %swap3A_172 = arith.index_cast %mul3A_171 : i32 to index
      %swap3A_173 = tpu.vector_load %arg19[%swap3A_172] {strides = array<i32>} : memref<1664xi32, #tpu.memory_space<vmem>>, vector<16xi32>,
      tpu.vector_store %arg19[%swap3A_172], %broadcast_in_dim3A_41 {strides = array<i32>} : memref<1664xi32, #tpu.memory_space<vmem>>, vector<16xi32>,
      %scan3A_174 = arith.constant 0 : i32
      scf.yield %scan3A_174 : i32
    }
    %scan3A_54 = arith.constant 104 : i32
    %add3A_55 = arith.constant 0 : i32
    %add3A_56 = arith.addi %mul3A_32, %add3A_55 : i32
    %dma_start3A = tpu.memref_slice %arg4[%add3A_56] : memref<3200000xi32, #tpu.memory_space<hbm>> -> memref<1600xi32, #tpu.memory_space<hbm>>
    %dma_start3A_57 = tpu.memref_slice %arg4[%add3A_56] : memref<3200000xi32, #tpu.memory_space<hbm>> -> memref<1600xi32, #tpu.memory_space<hbm>>
    tpu.enqueue_dma source(%dma_start3A_57 : memref<1600xi32, #tpu.memory_space<hbm>>) target(%arg10 : memref<1600xi32, #tpu.memory_space<vmem>>) target_semaphore(%arg25 : memref<!tpu.dma_semaphore, #tpu.memory_space<semaphore_mem>>)
    %dma_start3A_58 = tpu.memref_slice %arg5[%add3A_56] : memref<3200000xi32, #tpu.memory_space<hbm>> -> memref<1600xi32, #tpu.memory_space<hbm>>
    %dma_start3A_59 = tpu.memref_slice %arg5[%add3A_56] : memref<3200000xi32, #tpu.memory_space<hbm>> -> memref<1600xi32, #tpu.memory_space<hbm>>
    tpu.enqueue_dma source(%dma_start3A_59 : memref<1600xi32, #tpu.memory_space<hbm>>) target(%arg12 : memref<1600xi32, #tpu.memory_space<vmem>>) target_semaphore(%arg25 : memref<!tpu.dma_semaphore, #tpu.memory_space<semaphore_mem>>)
    %dma_start3A_60 = tpu.memref_slice %arg6[%add3A_56] : memref<3200000xi32, #tpu.memory_space<hbm>> -> memref<1600xi32, #tpu.memory_space<hbm>>
    %dma_start3A_61 = tpu.memref_slice %arg6[%add3A_56] : memref<3200000xi32, #tpu.memory_space<hbm>> -> memref<1600xi32, #tpu.memory_space<hbm>>
    tpu.enqueue_dma source(%dma_start3A_61 : memref<1600xi32, #tpu.memory_space<hbm>>) target(%arg14 : memref<1600xi32, #tpu.memory_space<vmem>>) target_semaphore(%arg25 : memref<!tpu.dma_semaphore, #tpu.memory_space<semaphore_mem>>)
    %dma_start3A_62 = tpu.memref_slice %arg3[%add3A_56] : memref<3200000xf32, #tpu.memory_space<hbm>> -> memref<1600xf32, #tpu.memory_space<hbm>>
    %dma_start3A_63 = tpu.memref_slice %arg3[%add3A_56] : memref<3200000xf32, #tpu.memory_space<hbm>> -> memref<1600xf32, #tpu.memory_space<hbm>>
    tpu.enqueue_dma source(%dma_start3A_63 : memref<1600xf32, #tpu.memory_space<hbm>>) target(%arg16 : memref<1600xf32, #tpu.memory_space<vmem>>) target_semaphore(%arg25 : memref<!tpu.dma_semaphore, #tpu.memory_space<semaphore_mem>>)
    %scan3A_64 = arith.constant 0 : i32
    %scan3A_65 = arith.constant 0 : i32
    %scan3A_66 = arith.constant 250 : i32
    %scan3A_67 = arith.addi %scan3A_65, %scan3A_66 : i32
    %scan3A_68 = arith.constant 1 : i32
    %scan3A_69 = scf.for %scan3A_165 = %scan3A_65 to %scan3A_67 step %scan3A_68 iter_args(%scan3A_166 = %scan3A_64) -> (i32)  : i32 {
      %mul3A_167 = arith.constant 2 : i32
      %mul3A_168 = arith.muli %mul3A_167, %scan3A_165 : i32
      %add3A_169 = arith.constant 1 : i32
      %add3A_170 = arith.addi %mul3A_168, %add3A_169 : i32
      %mul3A_171 = arith.constant 1600 : i32
      %mul3A_172 = arith.muli %add3A_170, %mul3A_171 : i32
      %add3A_173 = arith.addi %mul3A_32, %mul3A_172 : i32
      %dma_start3A_174 = tpu.memref_slice %arg4[%add3A_173] : memref<3200000xi32, #tpu.memory_space<hbm>> -> memref<1600xi32, #tpu.memory_space<hbm>>
      %dma_start3A_175 = tpu.memref_slice %arg4[%add3A_173] : memref<3200000xi32, #tpu.memory_space<hbm>> -> memref<1600xi32, #tpu.memory_space<hbm>>
      tpu.enqueue_dma source(%dma_start3A_175 : memref<1600xi32, #tpu.memory_space<hbm>>) target(%arg11 : memref<1600xi32, #tpu.memory_space<vmem>>) target_semaphore(%arg26 : memref<!tpu.dma_semaphore, #tpu.memory_space<semaphore_mem>>)
      %dma_start3A_176 = tpu.memref_slice %arg5[%add3A_173] : memref<3200000xi32, #tpu.memory_space<hbm>> -> memref<1600xi32, #tpu.memory_space<hbm>>
      %dma_start3A_177 = tpu.memref_slice %arg5[%add3A_173] : memref<3200000xi32, #tpu.memory_space<hbm>> -> memref<1600xi32, #tpu.memory_space<hbm>>
      tpu.enqueue_dma source(%dma_start3A_177 : memref<1600xi32, #tpu.memory_space<hbm>>) target(%arg13 : memref<1600xi32, #tpu.memory_space<vmem>>) target_semaphore(%arg26 : memref<!tpu.dma_semaphore, #tpu.memory_space<semaphore_mem>>)
      %dma_start3A_178 = tpu.memref_slice %arg6[%add3A_173] : memref<3200000xi32, #tpu.memory_space<hbm>> -> memref<1600xi32, #tpu.memory_space<hbm>>
      %dma_start3A_179 = tpu.memref_slice %arg6[%add3A_173] : memref<3200000xi32, #tpu.memory_space<hbm>> -> memref<1600xi32, #tpu.memory_space<hbm>>
      tpu.enqueue_dma source(%dma_start3A_179 : memref<1600xi32, #tpu.memory_space<hbm>>) target(%arg15 : memref<1600xi32, #tpu.memory_space<vmem>>) target_semaphore(%arg26 : memref<!tpu.dma_semaphore, #tpu.memory_space<semaphore_mem>>)
      %dma_start3A_180 = tpu.memref_slice %arg3[%add3A_173] : memref<3200000xf32, #tpu.memory_space<hbm>> -> memref<1600xf32, #tpu.memory_space<hbm>>
      %dma_start3A_181 = tpu.memref_slice %arg3[%add3A_173] : memref<3200000xf32, #tpu.memory_space<hbm>> -> memref<1600xf32, #tpu.memory_space<hbm>>
      tpu.enqueue_dma source(%dma_start3A_181 : memref<1600xf32, #tpu.memory_space<hbm>>) target(%arg17 : memref<1600xf32, #tpu.memory_space<vmem>>) target_semaphore(%arg26 : memref<!tpu.dma_semaphore, #tpu.memory_space<semaphore_mem>>)
      %dma_wait3A_182 = arith.constant 0 : i32
      %dma_wait3A_183 = tpu.memref_slice %arg4[%dma_wait3A_182] : memref<3200000xi32, #tpu.memory_space<hbm>> -> memref<1600xi32, #tpu.memory_space<hbm>>
      %dma_wait3A_184 = arith.constant 0 : i32
      %dma_wait3A_185 = tpu.memref_slice %arg4[%dma_wait3A_184] : memref<3200000xi32, #tpu.memory_space<hbm>> -> memref<1600xi32, #tpu.memory_space<hbm>>
      tpu.wait_dma2 semaphore(%arg25 : memref<!tpu.dma_semaphore, #tpu.memory_space<semaphore_mem>>) src(%dma_wait3A_185 : memref<1600xi32, #tpu.memory_space<hbm>>) dst(%arg10 : memref<1600xi32, #tpu.memory_space<vmem>>)
      %dma_wait3A_186 = arith.constant 0 : i32
      %dma_wait3A_187 = tpu.memref_slice %arg5[%dma_wait3A_186] : memref<3200000xi32, #tpu.memory_space<hbm>> -> memref<1600xi32, #tpu.memory_space<hbm>>
      %dma_wait3A_188 = arith.constant 0 : i32
      %dma_wait3A_189 = tpu.memref_slice %arg5[%dma_wait3A_188] : memref<3200000xi32, #tpu.memory_space<hbm>> -> memref<1600xi32, #tpu.memory_space<hbm>>
      tpu.wait_dma2 semaphore(%arg25 : memref<!tpu.dma_semaphore, #tpu.memory_space<semaphore_mem>>) src(%dma_wait3A_189 : memref<1600xi32, #tpu.memory_space<hbm>>) dst(%arg12 : memref<1600xi32, #tpu.memory_space<vmem>>)
      %dma_wait3A_190 = arith.constant 0 : i32
      %dma_wait3A_191 = tpu.memref_slice %arg6[%dma_wait3A_190] : memref<3200000xi32, #tpu.memory_space<hbm>> -> memref<1600xi32, #tpu.memory_space<hbm>>
      %dma_wait3A_192 = arith.constant 0 : i32
      %dma_wait3A_193 = tpu.memref_slice %arg6[%dma_wait3A_192] : memref<3200000xi32, #tpu.memory_space<hbm>> -> memref<1600xi32, #tpu.memory_space<hbm>>
      tpu.wait_dma2 semaphore(%arg25 : memref<!tpu.dma_semaphore, #tpu.memory_space<semaphore_mem>>) src(%dma_wait3A_193 : memref<1600xi32, #tpu.memory_space<hbm>>) dst(%arg14 : memref<1600xi32, #tpu.memory_space<vmem>>)
      %dma_wait3A_194 = arith.constant 0 : i32
      %dma_wait3A_195 = tpu.memref_slice %arg3[%dma_wait3A_194] : memref<3200000xf32, #tpu.memory_space<hbm>> -> memref<1600xf32, #tpu.memory_space<hbm>>
      %dma_wait3A_196 = arith.constant 0 : i32
      %dma_wait3A_197 = tpu.memref_slice %arg3[%dma_wait3A_196] : memref<3200000xf32, #tpu.memory_space<hbm>> -> memref<1600xf32, #tpu.memory_space<hbm>>
      tpu.wait_dma2 semaphore(%arg25 : memref<!tpu.dma_semaphore, #tpu.memory_space<semaphore_mem>>) src(%dma_wait3A_197 : memref<1600xf32, #tpu.memory_space<hbm>>) dst(%arg16 : memref<1600xf32, #tpu.memory_space<vmem>>)
      %scan3A_198 = arith.constant 0 : i32
      %scan3A_199 = arith.constant 0 : i32
      %scan3A_200 = arith.constant 100 : i32
      %scan3A_201 = arith.addi %scan3A_199, %scan3A_200 : i32
      %scan3A_202 = arith.constant 1 : i32
      %scan3A_203 = scf.for %scan3A_420 = %scan3A_199 to %scan3A_201 step %scan3A_202 iter_args(%scan3A_421 = %scan3A_198) -> (i32)  : i32 {
        %mul3A_422 = arith.constant 16 : i32
        %mul3A_423 = arith.muli %scan3A_420, %mul3A_422 : i32
        %get3A_424 = arith.index_cast %mul3A_423 : i32 to index
        %get3A_425 = tpu.vector_load %arg14[%get3A_424] {strides = array<i32>} : memref<1600xi32, #tpu.memory_space<vmem>>, vector<16xi32>,
        %eq3A_426 = arith.cmpi eq, %get3A_425, %gather3A_34 : vector<16xi32>
        %all_reduce_population_count3A = tpu.all_reduce %eq3A_426 {dim = 0 : i64, kind = #tpu.reduction_kind<sum>} : vector<16xi1> -> vector<16xi32>
        %slice3A = vector.extract_strided_slice %all_reduce_population_count3A {offsets = [0], sizes = [1], strides = [1]} : vector<16xi32> to vector<1xi32>
        %squeeze3A = vector.extract %slice3A[0] : i32 from vector<1xi32>
        %gt3A = arith.constant 0 : i32
        %gt3A_427 = arith.cmpi sgt, %squeeze3A, %gt3A : i32
        %convert_element_type3A_428 = arith.extui %gt3A_427 : i1 to i32
        %cond3A_429 = arith.constant 0 : i32
        %cond3A_430 = arith.cmpi ne, %convert_element_type3A_428, %cond3A_429 : i32
        scf.if %cond3A_430 {
          %get3A_432 = arith.index_cast %mul3A_423 : i32 to index
          %get3A_433 = tpu.vector_load %arg10[%get3A_432] {strides = array<i32>} : memref<1600xi32, #tpu.memory_space<vmem>>, vector<16xi32>,
          %add3A_434 = arith.addi %get3A_433, %broadcast_in_dim3A_37 : vector<16xi32>
          %swap3A = arith.index_cast %scan3A_421 : i32 to index
          %swap3A_435 = tpu.vector_load %arg18[%swap3A] masked %eq3A_426 {strides = array<i32>} : memref<1664xi32, #tpu.memory_space<vmem>>, vector<16xi32>, vector<16xi1>
          tpu.vector_store %arg18[%swap3A], %add3A_434 masked %eq3A_426 {strides = array<i32>} : memref<1664xi32, #tpu.memory_space<vmem>>, vector<16xi32>, vector<16xi1>
          %get3A_436 = arith.index_cast %mul3A_423 : i32 to index
          %get3A_437 = tpu.vector_load %arg12[%get3A_436] {strides = array<i32>} : memref<1600xi32, #tpu.memory_space<vmem>>, vector<16xi32>,
          %swap3A_438 = arith.index_cast %scan3A_421 : i32 to index
          %swap3A_439 = tpu.vector_load %arg19[%swap3A_438] masked %eq3A_426 {strides = array<i32>} : memref<1664xi32, #tpu.memory_space<vmem>>, vector<16xi32>, vector<16xi1>
          tpu.vector_store %arg19[%swap3A_438], %get3A_437 masked %eq3A_426 {strides = array<i32>} : memref<1664xi32, #tpu.memory_space<vmem>>, vector<16xi32>, vector<16xi1>
          %get3A_440 = arith.index_cast %mul3A_423 : i32 to index
          %get3A_441 = tpu.vector_load %arg16[%get3A_440] {strides = array<i32>} : memref<1600xf32, #tpu.memory_space<vmem>>, vector<16xf32>,
          %swap3A_442 = arith.index_cast %scan3A_421 : i32 to index
          %swap3A_443 = tpu.vector_load %arg20[%swap3A_442] masked %eq3A_426 {strides = array<i32>} : memref<1664xf32, #tpu.memory_space<vmem>>, vector<16xf32>, vector<16xi1>
          tpu.vector_store %arg20[%swap3A_442], %get3A_441 masked %eq3A_426 {strides = array<i32>} : memref<1664xf32, #tpu.memory_space<vmem>>, vector<16xf32>, vector<16xi1>
        } else {
        }
        %add3A_431 = arith.addi %scan3A_421, %squeeze3A : i32
        scf.yield %add3A_431 : i32
      }
      %scan3A_204 = arith.constant 100 : i32
      %add3A_205 = arith.constant 127 : i32
      %add3A_206 = arith.addi %scan3A_203, %add3A_205 : i32
      %jit3A_207 = arith.constant 128 : i32
      %div3A_208 = arith.divsi %add3A_206, %jit3A_207 : i32
      %sign3A_209 = arith.constant 0 : i32
      %sign3A_210 = arith.cmpi sgt, %add3A_206, %sign3A_209 : i32
      %sign3A_211 = arith.extui %sign3A_210 : i1 to i32
      %sign3A_212 = arith.constant 0 : i32
      %sign3A_213 = arith.cmpi slt, %add3A_206, %sign3A_212 : i32
      %sign3A_214 = arith.extui %sign3A_213 : i1 to i32
      %sign3A_215 = arith.subi %sign3A_211, %sign3A_214 : i32
      %sign3A_216 = arith.constant 0 : i32
      %sign3A_217 = arith.cmpi sgt, %jit3A_207, %sign3A_216 : i32
      %sign3A_218 = arith.extui %sign3A_217 : i1 to i32
      %sign3A_219 = arith.constant 0 : i32
      %sign3A_220 = arith.cmpi slt, %jit3A_207, %sign3A_219 : i32
      %sign3A_221 = arith.extui %sign3A_220 : i1 to i32
      %sign3A_222 = arith.subi %sign3A_218, %sign3A_221 : i32
      %ne3A_223 = arith.cmpi ne, %sign3A_215, %sign3A_222 : i32
      %rem3A_224 = arith.remsi %add3A_206, %jit3A_207 : i32
      %ne3A_225 = arith.constant 0 : i32
      %ne3A_226 = arith.cmpi ne, %rem3A_224, %ne3A_225 : i32
      %and3A_227 = arith.andi %ne3A_223, %ne3A_226 : i1
      %sub3A_228 = arith.constant 1 : i32
      %sub3A_229 = arith.subi %div3A_208, %sub3A_228 : i32
      %select_n3A_230 = arith.select %and3A_227, %sub3A_229, %div3A_208 : i32
      %while3A = arith.constant 0 : i32
      %while3A_231 = arith.constant 0 : i32
      %while3A_232 = arith.subi %select_n3A_230, %while3A : i32
      %while3A_233 = arith.addi %while3A, %while3A_232 : i32
      %while3A_234 = arith.constant 1 : i32
      %while3A_235 = arith.divsi %while3A_232, %while3A_234 : i32
      %while3A_236 = arith.muli %while3A_235, %while3A_234 : i32
      %while3A_237 = arith.addi %while3A, %while3A_236 : i32
      %while3A_238 = arith.constant 1 : i32
      %while3A_239 = scf.for %while3A_420 = %while3A to %while3A_237 step %while3A_238 iter_args(%while3A_421 = %while3A_231) -> (i32)  : i32 {
        %mul3A_422 = arith.constant 128 : i32
        %mul3A_423 = arith.muli %while3A_420, %mul3A_422 : i32
        %mul3A_424 = arith.constant 128 : i32
        %mul3A_425 = arith.muli %while3A_420, %mul3A_424 : i32
        %dma_start3A_426 = tpu.memref_slice %arg21[%mul3A_425] : memref<1664xf32, #tpu.memory_space<vmem>> -> memref<128xf32, #tpu.memory_space<vmem>>
        %dma_start3A_427 = tpu.memref_slice %arg18[%mul3A_423] : memref<1664xi32, #tpu.memory_space<vmem>> -> memref<128xi32, #tpu.memory_space<vmem>>
        %dma_start3A_428 = arith.constant 0 : i32
        %dma_start3A_429 = tpu.memref_slice %arg2[%dma_start3A_428] : memref<800000xf32, #tpu.memory_space<hbm>> -> memref<800000xf32, #tpu.memory_space<hbm>>
        tpu.enqueue_indirect_dma source(%dma_start3A_429 : memref<800000xf32, #tpu.memory_space<hbm>>) target(%dma_start3A_426 : memref<128xf32, #tpu.memory_space<vmem>>) offsets(%dma_start3A_427 : memref<128xi32, #tpu.memory_space<vmem>>) semaphore(%arg27 : memref<!tpu.dma_semaphore, #tpu.memory_space<semaphore_mem>>)
        %while3A_430 = arith.constant 0 : i32
        scf.yield %while3A_430 : i32
      }
      %while3A_240 = arith.constant 1 : i32
      %while3A_241 = scf.for %while3A_420 = %while3A_237 to %while3A_233 step %while3A_240 iter_args(%while3A_421 = %while3A_239) -> (i32)  : i32 {
        %mul3A_422 = arith.constant 128 : i32
        %mul3A_423 = arith.muli %while3A_420, %mul3A_422 : i32
        %mul3A_424 = arith.constant 128 : i32
        %mul3A_425 = arith.muli %while3A_420, %mul3A_424 : i32
        %dma_start3A_426 = tpu.memref_slice %arg21[%mul3A_425] : memref<1664xf32, #tpu.memory_space<vmem>> -> memref<128xf32, #tpu.memory_space<vmem>>
        %dma_start3A_427 = tpu.memref_slice %arg18[%mul3A_423] : memref<1664xi32, #tpu.memory_space<vmem>> -> memref<128xi32, #tpu.memory_space<vmem>>
        %dma_start3A_428 = arith.constant 0 : i32
        %dma_start3A_429 = tpu.memref_slice %arg2[%dma_start3A_428] : memref<800000xf32, #tpu.memory_space<hbm>> -> memref<800000xf32, #tpu.memory_space<hbm>>
        tpu.enqueue_indirect_dma source(%dma_start3A_429 : memref<800000xf32, #tpu.memory_space<hbm>>) target(%dma_start3A_426 : memref<128xf32, #tpu.memory_space<vmem>>) offsets(%dma_start3A_427 : memref<128xi32, #tpu.memory_space<vmem>>) semaphore(%arg27 : memref<!tpu.dma_semaphore, #tpu.memory_space<semaphore_mem>>)
        %while3A_430 = arith.constant 0 : i32
        scf.yield %while3A_430 : i32
      }
      %while3A_242 = arith.constant 0 : i32
      %while3A_243 = arith.constant 0 : i32
      %while3A_244 = arith.subi %select_n3A_230, %while3A_242 : i32
      %while3A_245 = arith.addi %while3A_242, %while3A_244 : i32
      %while3A_246 = arith.constant 1 : i32
      %while3A_247 = arith.divsi %while3A_244, %while3A_246 : i32
      %while3A_248 = arith.muli %while3A_247, %while3A_246 : i32
      %while3A_249 = arith.addi %while3A_242, %while3A_248 : i32
      %while3A_250 = arith.constant 1 : i32
      %while3A_251 = scf.for %while3A_420 = %while3A_242 to %while3A_249 step %while3A_250 iter_args(%while3A_421 = %while3A_243) -> (i32)  : i32 {
        %mul3A_422 = arith.constant 128 : i32
        %mul3A_423 = arith.muli %while3A_420, %mul3A_422 : i32
        %mul3A_424 = arith.constant 128 : i32
        %mul3A_425 = arith.muli %while3A_420, %mul3A_424 : i32
        %dma_wait3A_426 = tpu.memref_slice %arg21[%mul3A_425] : memref<1664xf32, #tpu.memory_space<vmem>> -> memref<128xf32, #tpu.memory_space<vmem>>
        %dma_wait3A_427 = tpu.memref_slice %arg18[%mul3A_423] : memref<1664xi32, #tpu.memory_space<vmem>> -> memref<128xi32, #tpu.memory_space<vmem>>
        %dma_wait3A_428 = arith.constant 0 : i32
        %dma_wait3A_429 = tpu.memref_slice %arg2[%dma_wait3A_428] : memref<800000xf32, #tpu.memory_space<hbm>> -> memref<800000xf32, #tpu.memory_space<hbm>>
        tpu.wait_indirect_dma semaphore(%arg27 : memref<!tpu.dma_semaphore, #tpu.memory_space<semaphore_mem>>) src(%dma_wait3A_429 : memref<800000xf32, #tpu.memory_space<hbm>>) dst(%dma_wait3A_426 : memref<128xf32, #tpu.memory_space<vmem>>)
        %while3A_430 = arith.constant 0 : i32
        scf.yield %while3A_430 : i32
      }
      %while3A_252 = arith.constant 1 : i32
      %while3A_253 = scf.for %while3A_420 = %while3A_249 to %while3A_245 step %while3A_252 iter_args(%while3A_421 = %while3A_251) -> (i32)  : i32 {
        %mul3A_422 = arith.constant 128 : i32
        %mul3A_423 = arith.muli %while3A_420, %mul3A_422 : i32
        %mul3A_424 = arith.constant 128 : i32
        %mul3A_425 = arith.muli %while3A_420, %mul3A_424 : i32
        %dma_wait3A_426 = tpu.memref_slice %arg21[%mul3A_425] : memref<1664xf32, #tpu.memory_space<vmem>> -> memref<128xf32, #tpu.memory_space<vmem>>
        %dma_wait3A_427 = tpu.memref_slice %arg18[%mul3A_423] : memref<1664xi32, #tpu.memory_space<vmem>> -> memref<128xi32, #tpu.memory_space<vmem>>
        %dma_wait3A_428 = arith.constant 0 : i32
        %dma_wait3A_429 = tpu.memref_slice %arg2[%dma_wait3A_428] : memref<800000xf32, #tpu.memory_space<hbm>> -> memref<800000xf32, #tpu.memory_space<hbm>>
        tpu.wait_indirect_dma semaphore(%arg27 : memref<!tpu.dma_semaphore, #tpu.memory_space<semaphore_mem>>) src(%dma_wait3A_429 : memref<800000xf32, #tpu.memory_space<hbm>>) dst(%dma_wait3A_426 : memref<128xf32, #tpu.memory_space<vmem>>)
        %while3A_430 = arith.constant 0 : i32
        scf.yield %while3A_430 : i32
      }
      %broadcast_in_dim3A_254 = vector.broadcast %scan3A_203 : i32 to vector<16xi32>
      %add3A_255 = arith.constant 15 : i32
      %add3A_256 = arith.addi %scan3A_203, %add3A_255 : i32
      %jit3A_257 = arith.constant 16 : i32
      %div3A_258 = arith.divsi %add3A_256, %jit3A_257 : i32
      %sign3A_259 = arith.constant 0 : i32
      %sign3A_260 = arith.cmpi sgt, %add3A_256, %sign3A_259 : i32
      %sign3A_261 = arith.extui %sign3A_260 : i1 to i32
      %sign3A_262 = arith.constant 0 : i32
      %sign3A_263 = arith.cmpi slt, %add3A_256, %sign3A_262 : i32
      %sign3A_264 = arith.extui %sign3A_263 : i1 to i32
      %sign3A_265 = arith.subi %sign3A_261, %sign3A_264 : i32
      %sign3A_266 = arith.constant 0 : i32
      %sign3A_267 = arith.cmpi sgt, %jit3A_257, %sign3A_266 : i32
      %sign3A_268 = arith.extui %sign3A_267 : i1 to i32
      %sign3A_269 = arith.constant 0 : i32
      %sign3A_270 = arith.cmpi slt, %jit3A_257, %sign3A_269 : i32
      %sign3A_271 = arith.extui %sign3A_270 : i1 to i32
      %sign3A_272 = arith.subi %sign3A_268, %sign3A_271 : i32
      %ne3A_273 = arith.cmpi ne, %sign3A_265, %sign3A_272 : i32
      %rem3A_274 = arith.remsi %add3A_256, %jit3A_257 : i32
      %ne3A_275 = arith.constant 0 : i32
      %ne3A_276 = arith.cmpi ne, %rem3A_274, %ne3A_275 : i32
      %and3A_277 = arith.andi %ne3A_273, %ne3A_276 : i1
      %sub3A_278 = arith.constant 1 : i32
      %sub3A_279 = arith.subi %div3A_258, %sub3A_278 : i32
      %select_n3A_280 = arith.select %and3A_277, %sub3A_279, %div3A_258 : i32
      %while3A_281 = arith.constant 0 : i32
      %while3A_282 = arith.constant 0 : i32
      %while3A_283 = arith.subi %select_n3A_280, %while3A_281 : i32
      %while3A_284 = arith.addi %while3A_281, %while3A_283 : i32
      %while3A_285 = arith.constant 1 : i32
      %while3A_286 = arith.divsi %while3A_283, %while3A_285 : i32
      %while3A_287 = arith.muli %while3A_286, %while3A_285 : i32
      %while3A_288 = arith.addi %while3A_281, %while3A_287 : i32
      %while3A_289 = arith.constant 1 : i32
      %while3A_290 = scf.for %while3A_420 = %while3A_281 to %while3A_288 step %while3A_289 iter_args(%while3A_421 = %while3A_282) -> (i32)  : i32 {
        %mul3A_422 = arith.constant 16 : i32
        %mul3A_423 = arith.muli %while3A_420, %mul3A_422 : i32
        %get3A_424 = arith.index_cast %mul3A_423 : i32 to index
        %get3A_425 = tpu.vector_load %arg19[%get3A_424] {strides = array<i32>} : memref<1664xi32, #tpu.memory_space<vmem>>, vector<16xi32>,
        %mul3A_426 = arith.constant 16 : i32
        %mul3A_427 = arith.muli %while3A_420, %mul3A_426 : i32
        %add3A_428 = vector.broadcast %mul3A_427 : i32 to vector<16xi32>
        %add3A_429 = arith.addi %iota3A, %add3A_428 : vector<16xi32>
        %lt3A_430 = arith.cmpi slt, %add3A_429, %broadcast_in_dim3A_254 : vector<16xi32>
        %get3A_431 = arith.index_cast %mul3A_423 : i32 to index
        %get3A_432 = tpu.vector_load %arg20[%get3A_431] {strides = array<i32>} : memref<1664xf32, #tpu.memory_space<vmem>>, vector<16xf32>,
        %get3A_433 = arith.index_cast %mul3A_423 : i32 to index
        %get3A_434 = tpu.vector_load %arg21[%get3A_433] {strides = array<i32>} : memref<1664xf32, #tpu.memory_space<vmem>>, vector<16xf32>,
        %mul3A_435 = arith.mulf %get3A_432, %get3A_434 : vector<16xf32>
        %jit3A_436 = arith.constant -1.000000e+00 : f32
        %broadcast_in_dim3A_437 = vector.broadcast %jit3A_436 : f32 to vector<16xf32>
        %select_n3A_438 = arith.select %lt3A_430, %mul3A_435, %broadcast_in_dim3A_437 : vector<16xi1>, vector<16xf32>
        %gather3A_439 = tpu.vector_load_idx %arg9[%get3A_425] : memref<100000xf32, #tpu.memory_space<vmem>>[vector<16xi32>], vector<16xf32>,
        %while3A_440 = scf.while (%while3A_442 = %gather3A_439) : (vector<16xf32>) -> vector<16xf32> {
          %gt3A = arith.cmpf ogt, %select_n3A_438, %while3A_442 : vector<16xf32>
          %all_reduce_population_count3A = tpu.all_reduce %gt3A {dim = 0 : i64, kind = #tpu.reduction_kind<sum>} : vector<16xi1> -> vector<16xi32>
          %slice3A = vector.extract_strided_slice %all_reduce_population_count3A {offsets = [0], sizes = [1], strides = [1]} : vector<16xi32> to vector<1xi32>
          %squeeze3A = vector.extract %slice3A[0] : i32 from vector<1xi32>
          %gt3A_443 = arith.constant 0 : i32
          %gt3A_444 = arith.cmpi sgt, %squeeze3A, %gt3A_443 : i32
          scf.condition(%gt3A_444) %while3A_442 : vector<16xf32>
        } do {
        ^bb0(%while3A_442: vector<16xf32>):
          %gt3A = arith.cmpf ogt, %select_n3A_438, %while3A_442 : vector<16xf32>
          tpu.vector_store_idx %arg9[%get3A_425], %select_n3A_438 masked %gt3A : memref<100000xf32, #tpu.memory_space<vmem>>[vector<16xi32>], vector<16xf32>, vector<16xi1>
          %gather3A_443 = tpu.vector_load_idx %arg9[%get3A_425] : memref<100000xf32, #tpu.memory_space<vmem>>[vector<16xi32>], vector<16xf32>,
          scf.yield %gather3A_443 : vector<16xf32>
        }
        %while3A_441 = arith.constant 0 : i32
        scf.yield %while3A_441 : i32
      }
      %while3A_291 = arith.constant 1 : i32
      %while3A_292 = scf.for %while3A_420 = %while3A_288 to %while3A_284 step %while3A_291 iter_args(%while3A_421 = %while3A_290) -> (i32)  : i32 {
        %mul3A_422 = arith.constant 16 : i32
        %mul3A_423 = arith.muli %while3A_420, %mul3A_422 : i32
        %get3A_424 = arith.index_cast %mul3A_423 : i32 to index
        %get3A_425 = tpu.vector_load %arg19[%get3A_424] {strides = array<i32>} : memref<1664xi32, #tpu.memory_space<vmem>>, vector<16xi32>,
        %mul3A_426 = arith.constant 16 : i32
        %mul3A_427 = arith.muli %while3A_420, %mul3A_426 : i32
        %add3A_428 = vector.broadcast %mul3A_427 : i32 to vector<16xi32>
        %add3A_429 = arith.addi %iota3A, %add3A_428 : vector<16xi32>
        %lt3A_430 = arith.cmpi slt, %add3A_429, %broadcast_in_dim3A_254 : vector<16xi32>
        %get3A_431 = arith.index_cast %mul3A_423 : i32 to index
        %get3A_432 = tpu.vector_load %arg20[%get3A_431] {strides = array<i32>} : memref<1664xf32, #tpu.memory_space<vmem>>, vector<16xf32>,
        %get3A_433 = arith.index_cast %mul3A_423 : i32 to index
        %get3A_434 = tpu.vector_load %arg21[%get3A_433] {strides = array<i32>} : memref<1664xf32, #tpu.memory_space<vmem>>, vector<16xf32>,
        %mul3A_435 = arith.mulf %get3A_432, %get3A_434 : vector<16xf32>
        %jit3A_436 = arith.constant -1.000000e+00 : f32
        %broadcast_in_dim3A_437 = vector.broadcast %jit3A_436 : f32 to vector<16xf32>
        %select_n3A_438 = arith.select %lt3A_430, %mul3A_435, %broadcast_in_dim3A_437 : vector<16xi1>, vector<16xf32>
        %gather3A_439 = tpu.vector_load_idx %arg9[%get3A_425] : memref<100000xf32, #tpu.memory_space<vmem>>[vector<16xi32>], vector<16xf32>,
        %while3A_440 = scf.while (%while3A_442 = %gather3A_439) : (vector<16xf32>) -> vector<16xf32> {
          %gt3A = arith.cmpf ogt, %select_n3A_438, %while3A_442 : vector<16xf32>
          %all_reduce_population_count3A = tpu.all_reduce %gt3A {dim = 0 : i64, kind = #tpu.reduction_kind<sum>} : vector<16xi1> -> vector<16xi32>
          %slice3A = vector.extract_strided_slice %all_reduce_population_count3A {offsets = [0], sizes = [1], strides = [1]} : vector<16xi32> to vector<1xi32>
          %squeeze3A = vector.extract %slice3A[0] : i32 from vector<1xi32>
          %gt3A_443 = arith.constant 0 : i32
          %gt3A_444 = arith.cmpi sgt, %squeeze3A, %gt3A_443 : i32
          scf.condition(%gt3A_444) %while3A_442 : vector<16xf32>
        } do {
        ^bb0(%while3A_442: vector<16xf32>):
          %gt3A = arith.cmpf ogt, %select_n3A_438, %while3A_442 : vector<16xf32>
          tpu.vector_store_idx %arg9[%get3A_425], %select_n3A_438 masked %gt3A : memref<100000xf32, #tpu.memory_space<vmem>>[vector<16xi32>], vector<16xf32>, vector<16xi1>
          %gather3A_443 = tpu.vector_load_idx %arg9[%get3A_425] : memref<100000xf32, #tpu.memory_space<vmem>>[vector<16xi32>], vector<16xf32>,
          scf.yield %gather3A_443 : vector<16xf32>
        }
        %while3A_441 = arith.constant 0 : i32
        scf.yield %while3A_441 : i32
      }
      %add3A_293 = arith.constant 1 : i32
      %add3A_294 = arith.addi %add3A_170, %add3A_293 : i32
      %min3A = arith.constant 499 : i32
      %min3A_295 = arith.minsi %add3A_294, %min3A : i32
      %mul3A_296 = arith.constant 1600 : i32
      %mul3A_297 = arith.muli %min3A_295, %mul3A_296 : i32
      %add3A_298 = arith.addi %mul3A_32, %mul3A_297 : i32
      %dma_start3A_299 = tpu.memref_slice %arg4[%add3A_298] : memref<3200000xi32, #tpu.memory_space<hbm>> -> memref<1600xi32, #tpu.memory_space<hbm>>
      %dma_start3A_300 = tpu.memref_slice %arg4[%add3A_298] : memref<3200000xi32, #tpu.memory_space<hbm>> -> memref<1600xi32, #tpu.memory_space<hbm>>
      tpu.enqueue_dma source(%dma_start3A_300 : memref<1600xi32, #tpu.memory_space<hbm>>) target(%arg10 : memref<1600xi32, #tpu.memory_space<vmem>>) target_semaphore(%arg25 : memref<!tpu.dma_semaphore, #tpu.memory_space<semaphore_mem>>)
      %dma_start3A_301 = tpu.memref_slice %arg5[%add3A_298] : memref<3200000xi32, #tpu.memory_space<hbm>> -> memref<1600xi32, #tpu.memory_space<hbm>>
      %dma_start3A_302 = tpu.memref_slice %arg5[%add3A_298] : memref<3200000xi32, #tpu.memory_space<hbm>> -> memref<1600xi32, #tpu.memory_space<hbm>>
      tpu.enqueue_dma source(%dma_start3A_302 : memref<1600xi32, #tpu.memory_space<hbm>>) target(%arg12 : memref<1600xi32, #tpu.memory_space<vmem>>) target_semaphore(%arg25 : memref<!tpu.dma_semaphore, #tpu.memory_space<semaphore_mem>>)
      %dma_start3A_303 = tpu.memref_slice %arg6[%add3A_298] : memref<3200000xi32, #tpu.memory_space<hbm>> -> memref<1600xi32, #tpu.memory_space<hbm>>
      %dma_start3A_304 = tpu.memref_slice %arg6[%add3A_298] : memref<3200000xi32, #tpu.memory_space<hbm>> -> memref<1600xi32, #tpu.memory_space<hbm>>
      tpu.enqueue_dma source(%dma_start3A_304 : memref<1600xi32, #tpu.memory_space<hbm>>) target(%arg14 : memref<1600xi32, #tpu.memory_space<vmem>>) target_semaphore(%arg25 : memref<!tpu.dma_semaphore, #tpu.memory_space<semaphore_mem>>)
      %dma_start3A_305 = tpu.memref_slice %arg3[%add3A_298] : memref<3200000xf32, #tpu.memory_space<hbm>> -> memref<1600xf32, #tpu.memory_space<hbm>>
      %dma_start3A_306 = tpu.memref_slice %arg3[%add3A_298] : memref<3200000xf32, #tpu.memory_space<hbm>> -> memref<1600xf32, #tpu.memory_space<hbm>>
      tpu.enqueue_dma source(%dma_start3A_306 : memref<1600xf32, #tpu.memory_space<hbm>>) target(%arg16 : memref<1600xf32, #tpu.memory_space<vmem>>) target_semaphore(%arg25 : memref<!tpu.dma_semaphore, #tpu.memory_space<semaphore_mem>>)
      %dma_wait3A_307 = arith.constant 0 : i32
      %dma_wait3A_308 = tpu.memref_slice %arg4[%dma_wait3A_307] : memref<3200000xi32, #tpu.memory_space<hbm>> -> memref<1600xi32, #tpu.memory_space<hbm>>
      %dma_wait3A_309 = arith.constant 0 : i32
      %dma_wait3A_310 = tpu.memref_slice %arg4[%dma_wait3A_309] : memref<3200000xi32, #tpu.memory_space<hbm>> -> memref<1600xi32, #tpu.memory_space<hbm>>
      tpu.wait_dma2 semaphore(%arg26 : memref<!tpu.dma_semaphore, #tpu.memory_space<semaphore_mem>>) src(%dma_wait3A_310 : memref<1600xi32, #tpu.memory_space<hbm>>) dst(%arg11 : memref<1600xi32, #tpu.memory_space<vmem>>)
      %dma_wait3A_311 = arith.constant 0 : i32
      %dma_wait3A_312 = tpu.memref_slice %arg5[%dma_wait3A_311] : memref<3200000xi32, #tpu.memory_space<hbm>> -> memref<1600xi32, #tpu.memory_space<hbm>>
      %dma_wait3A_313 = arith.constant 0 : i32
      %dma_wait3A_314 = tpu.memref_slice %arg5[%dma_wait3A_313] : memref<3200000xi32, #tpu.memory_space<hbm>> -> memref<1600xi32, #tpu.memory_space<hbm>>
      tpu.wait_dma2 semaphore(%arg26 : memref<!tpu.dma_semaphore, #tpu.memory_space<semaphore_mem>>) src(%dma_wait3A_314 : memref<1600xi32, #tpu.memory_space<hbm>>) dst(%arg13 : memref<1600xi32, #tpu.memory_space<vmem>>)
      %dma_wait3A_315 = arith.constant 0 : i32
      %dma_wait3A_316 = tpu.memref_slice %arg6[%dma_wait3A_315] : memref<3200000xi32, #tpu.memory_space<hbm>> -> memref<1600xi32, #tpu.memory_space<hbm>>
      %dma_wait3A_317 = arith.constant 0 : i32
      %dma_wait3A_318 = tpu.memref_slice %arg6[%dma_wait3A_317] : memref<3200000xi32, #tpu.memory_space<hbm>> -> memref<1600xi32, #tpu.memory_space<hbm>>
      tpu.wait_dma2 semaphore(%arg26 : memref<!tpu.dma_semaphore, #tpu.memory_space<semaphore_mem>>) src(%dma_wait3A_318 : memref<1600xi32, #tpu.memory_space<hbm>>) dst(%arg15 : memref<1600xi32, #tpu.memory_space<vmem>>)
      %dma_wait3A_319 = arith.constant 0 : i32
      %dma_wait3A_320 = tpu.memref_slice %arg3[%dma_wait3A_319] : memref<3200000xf32, #tpu.memory_space<hbm>> -> memref<1600xf32, #tpu.memory_space<hbm>>
      %dma_wait3A_321 = arith.constant 0 : i32
      %dma_wait3A_322 = tpu.memref_slice %arg3[%dma_wait3A_321] : memref<3200000xf32, #tpu.memory_space<hbm>> -> memref<1600xf32, #tpu.memory_space<hbm>>
      tpu.wait_dma2 semaphore(%arg26 : memref<!tpu.dma_semaphore, #tpu.memory_space<semaphore_mem>>) src(%dma_wait3A_322 : memref<1600xf32, #tpu.memory_space<hbm>>) dst(%arg17 : memref<1600xf32, #tpu.memory_space<vmem>>)
      %scan3A_323 = arith.constant 0 : i32
      %scan3A_324 = arith.constant 0 : i32
      %scan3A_325 = arith.constant 100 : i32
      %scan3A_326 = arith.addi %scan3A_324, %scan3A_325 : i32
      %scan3A_327 = arith.constant 1 : i32
      %scan3A_328 = scf.for %scan3A_420 = %scan3A_324 to %scan3A_326 step %scan3A_327 iter_args(%scan3A_421 = %scan3A_323) -> (i32)  : i32 {
        %mul3A_422 = arith.constant 16 : i32
        %mul3A_423 = arith.muli %scan3A_420, %mul3A_422 : i32
        %get3A_424 = arith.index_cast %mul3A_423 : i32 to index
        %get3A_425 = tpu.vector_load %arg15[%get3A_424] {strides = array<i32>} : memref<1600xi32, #tpu.memory_space<vmem>>, vector<16xi32>,
        %eq3A_426 = arith.cmpi eq, %get3A_425, %gather3A_34 : vector<16xi32>
        %all_reduce_population_count3A = tpu.all_reduce %eq3A_426 {dim = 0 : i64, kind = #tpu.reduction_kind<sum>} : vector<16xi1> -> vector<16xi32>
        %slice3A = vector.extract_strided_slice %all_reduce_population_count3A {offsets = [0], sizes = [1], strides = [1]} : vector<16xi32> to vector<1xi32>
        %squeeze3A = vector.extract %slice3A[0] : i32 from vector<1xi32>
        %gt3A = arith.constant 0 : i32
        %gt3A_427 = arith.cmpi sgt, %squeeze3A, %gt3A : i32
        %convert_element_type3A_428 = arith.extui %gt3A_427 : i1 to i32
        %cond3A_429 = arith.constant 0 : i32
        %cond3A_430 = arith.cmpi ne, %convert_element_type3A_428, %cond3A_429 : i32
        scf.if %cond3A_430 {
          %get3A_432 = arith.index_cast %mul3A_423 : i32 to index
          %get3A_433 = tpu.vector_load %arg11[%get3A_432] {strides = array<i32>} : memref<1600xi32, #tpu.memory_space<vmem>>, vector<16xi32>,
          %add3A_434 = arith.addi %get3A_433, %broadcast_in_dim3A_37 : vector<16xi32>
          %swap3A = arith.index_cast %scan3A_421 : i32 to index
          %swap3A_435 = tpu.vector_load %arg18[%swap3A] masked %eq3A_426 {strides = array<i32>} : memref<1664xi32, #tpu.memory_space<vmem>>, vector<16xi32>, vector<16xi1>
          tpu.vector_store %arg18[%swap3A], %add3A_434 masked %eq3A_426 {strides = array<i32>} : memref<1664xi32, #tpu.memory_space<vmem>>, vector<16xi32>, vector<16xi1>
          %get3A_436 = arith.index_cast %mul3A_423 : i32 to index
          %get3A_437 = tpu.vector_load %arg13[%get3A_436] {strides = array<i32>} : memref<1600xi32, #tpu.memory_space<vmem>>, vector<16xi32>,
          %swap3A_438 = arith.index_cast %scan3A_421 : i32 to index
          %swap3A_439 = tpu.vector_load %arg19[%swap3A_438] masked %eq3A_426 {strides = array<i32>} : memref<1664xi32, #tpu.memory_space<vmem>>, vector<16xi32>, vector<16xi1>
          tpu.vector_store %arg19[%swap3A_438], %get3A_437 masked %eq3A_426 {strides = array<i32>} : memref<1664xi32, #tpu.memory_space<vmem>>, vector<16xi32>, vector<16xi1>
          %get3A_440 = arith.index_cast %mul3A_423 : i32 to index
          %get3A_441 = tpu.vector_load %arg17[%get3A_440] {strides = array<i32>} : memref<1600xf32, #tpu.memory_space<vmem>>, vector<16xf32>,
          %swap3A_442 = arith.index_cast %scan3A_421 : i32 to index
          %swap3A_443 = tpu.vector_load %arg20[%swap3A_442] masked %eq3A_426 {strides = array<i32>} : memref<1664xf32, #tpu.memory_space<vmem>>, vector<16xf32>, vector<16xi1>
          tpu.vector_store %arg20[%swap3A_442], %get3A_441 masked %eq3A_426 {strides = array<i32>} : memref<1664xf32, #tpu.memory_space<vmem>>, vector<16xf32>, vector<16xi1>
        } else {
        }
        %add3A_431 = arith.addi %scan3A_421, %squeeze3A : i32
        scf.yield %add3A_431 : i32
      }
      %scan3A_329 = arith.constant 100 : i32
      %add3A_330 = arith.constant 127 : i32
      %add3A_331 = arith.addi %scan3A_328, %add3A_330 : i32
      %jit3A_332 = arith.constant 128 : i32
      %div3A_333 = arith.divsi %add3A_331, %jit3A_332 : i32
      %sign3A_334 = arith.constant 0 : i32
      %sign3A_335 = arith.cmpi sgt, %add3A_331, %sign3A_334 : i32
      %sign3A_336 = arith.extui %sign3A_335 : i1 to i32
      %sign3A_337 = arith.constant 0 : i32
      %sign3A_338 = arith.cmpi slt, %add3A_331, %sign3A_337 : i32
      %sign3A_339 = arith.extui %sign3A_338 : i1 to i32
      %sign3A_340 = arith.subi %sign3A_336, %sign3A_339 : i32
      %sign3A_341 = arith.constant 0 : i32
      %sign3A_342 = arith.cmpi sgt, %jit3A_332, %sign3A_341 : i32
      %sign3A_343 = arith.extui %sign3A_342 : i1 to i32
      %sign3A_344 = arith.constant 0 : i32
      %sign3A_345 = arith.cmpi slt, %jit3A_332, %sign3A_344 : i32
      %sign3A_346 = arith.extui %sign3A_345 : i1 to i32
      %sign3A_347 = arith.subi %sign3A_343, %sign3A_346 : i32
      %ne3A_348 = arith.cmpi ne, %sign3A_340, %sign3A_347 : i32
      %rem3A_349 = arith.remsi %add3A_331, %jit3A_332 : i32
      %ne3A_350 = arith.constant 0 : i32
      %ne3A_351 = arith.cmpi ne, %rem3A_349, %ne3A_350 : i32
      %and3A_352 = arith.andi %ne3A_348, %ne3A_351 : i1
      %sub3A_353 = arith.constant 1 : i32
      %sub3A_354 = arith.subi %div3A_333, %sub3A_353 : i32
      %select_n3A_355 = arith.select %and3A_352, %sub3A_354, %div3A_333 : i32
      %while3A_356 = arith.constant 0 : i32
      %while3A_357 = arith.constant 0 : i32
      %while3A_358 = arith.subi %select_n3A_355, %while3A_356 : i32
      %while3A_359 = arith.addi %while3A_356, %while3A_358 : i32
      %while3A_360 = arith.constant 1 : i32
      %while3A_361 = arith.divsi %while3A_358, %while3A_360 : i32
      %while3A_362 = arith.muli %while3A_361, %while3A_360 : i32
      %while3A_363 = arith.addi %while3A_356, %while3A_362 : i32
      %while3A_364 = arith.constant 1 : i32
      %while3A_365 = scf.for %while3A_420 = %while3A_356 to %while3A_363 step %while3A_364 iter_args(%while3A_421 = %while3A_357) -> (i32)  : i32 {
        %mul3A_422 = arith.constant 128 : i32
        %mul3A_423 = arith.muli %while3A_420, %mul3A_422 : i32
        %mul3A_424 = arith.constant 128 : i32
        %mul3A_425 = arith.muli %while3A_420, %mul3A_424 : i32
        %dma_start3A_426 = tpu.memref_slice %arg21[%mul3A_425] : memref<1664xf32, #tpu.memory_space<vmem>> -> memref<128xf32, #tpu.memory_space<vmem>>
        %dma_start3A_427 = tpu.memref_slice %arg18[%mul3A_423] : memref<1664xi32, #tpu.memory_space<vmem>> -> memref<128xi32, #tpu.memory_space<vmem>>
        %dma_start3A_428 = arith.constant 0 : i32
        %dma_start3A_429 = tpu.memref_slice %arg2[%dma_start3A_428] : memref<800000xf32, #tpu.memory_space<hbm>> -> memref<800000xf32, #tpu.memory_space<hbm>>
        tpu.enqueue_indirect_dma source(%dma_start3A_429 : memref<800000xf32, #tpu.memory_space<hbm>>) target(%dma_start3A_426 : memref<128xf32, #tpu.memory_space<vmem>>) offsets(%dma_start3A_427 : memref<128xi32, #tpu.memory_space<vmem>>) semaphore(%arg27 : memref<!tpu.dma_semaphore, #tpu.memory_space<semaphore_mem>>)
        %while3A_430 = arith.constant 0 : i32
        scf.yield %while3A_430 : i32
      }
      %while3A_366 = arith.constant 1 : i32
      %while3A_367 = scf.for %while3A_420 = %while3A_363 to %while3A_359 step %while3A_366 iter_args(%while3A_421 = %while3A_365) -> (i32)  : i32 {
        %mul3A_422 = arith.constant 128 : i32
        %mul3A_423 = arith.muli %while3A_420, %mul3A_422 : i32
        %mul3A_424 = arith.constant 128 : i32
        %mul3A_425 = arith.muli %while3A_420, %mul3A_424 : i32
        %dma_start3A_426 = tpu.memref_slice %arg21[%mul3A_425] : memref<1664xf32, #tpu.memory_space<vmem>> -> memref<128xf32, #tpu.memory_space<vmem>>
        %dma_start3A_427 = tpu.memref_slice %arg18[%mul3A_423] : memref<1664xi32, #tpu.memory_space<vmem>> -> memref<128xi32, #tpu.memory_space<vmem>>
        %dma_start3A_428 = arith.constant 0 : i32
        %dma_start3A_429 = tpu.memref_slice %arg2[%dma_start3A_428] : memref<800000xf32, #tpu.memory_space<hbm>> -> memref<800000xf32, #tpu.memory_space<hbm>>
        tpu.enqueue_indirect_dma source(%dma_start3A_429 : memref<800000xf32, #tpu.memory_space<hbm>>) target(%dma_start3A_426 : memref<128xf32, #tpu.memory_space<vmem>>) offsets(%dma_start3A_427 : memref<128xi32, #tpu.memory_space<vmem>>) semaphore(%arg27 : memref<!tpu.dma_semaphore, #tpu.memory_space<semaphore_mem>>)
        %while3A_430 = arith.constant 0 : i32
        scf.yield %while3A_430 : i32
      }
      %while3A_368 = arith.constant 0 : i32
      %while3A_369 = arith.constant 0 : i32
      %while3A_370 = arith.subi %select_n3A_355, %while3A_368 : i32
      %while3A_371 = arith.addi %while3A_368, %while3A_370 : i32
      %while3A_372 = arith.constant 1 : i32
      %while3A_373 = arith.divsi %while3A_370, %while3A_372 : i32
      %while3A_374 = arith.muli %while3A_373, %while3A_372 : i32
      %while3A_375 = arith.addi %while3A_368, %while3A_374 : i32
      %while3A_376 = arith.constant 1 : i32
      %while3A_377 = scf.for %while3A_420 = %while3A_368 to %while3A_375 step %while3A_376 iter_args(%while3A_421 = %while3A_369) -> (i32)  : i32 {
        %mul3A_422 = arith.constant 128 : i32
        %mul3A_423 = arith.muli %while3A_420, %mul3A_422 : i32
        %mul3A_424 = arith.constant 128 : i32
        %mul3A_425 = arith.muli %while3A_420, %mul3A_424 : i32
        %dma_wait3A_426 = tpu.memref_slice %arg21[%mul3A_425] : memref<1664xf32, #tpu.memory_space<vmem>> -> memref<128xf32, #tpu.memory_space<vmem>>
        %dma_wait3A_427 = tpu.memref_slice %arg18[%mul3A_423] : memref<1664xi32, #tpu.memory_space<vmem>> -> memref<128xi32, #tpu.memory_space<vmem>>
        %dma_wait3A_428 = arith.constant 0 : i32
        %dma_wait3A_429 = tpu.memref_slice %arg2[%dma_wait3A_428] : memref<800000xf32, #tpu.memory_space<hbm>> -> memref<800000xf32, #tpu.memory_space<hbm>>
        tpu.wait_indirect_dma semaphore(%arg27 : memref<!tpu.dma_semaphore, #tpu.memory_space<semaphore_mem>>) src(%dma_wait3A_429 : memref<800000xf32, #tpu.memory_space<hbm>>) dst(%dma_wait3A_426 : memref<128xf32, #tpu.memory_space<vmem>>)
        %while3A_430 = arith.constant 0 : i32
        scf.yield %while3A_430 : i32
      }
      %while3A_378 = arith.constant 1 : i32
      %while3A_379 = scf.for %while3A_420 = %while3A_375 to %while3A_371 step %while3A_378 iter_args(%while3A_421 = %while3A_377) -> (i32)  : i32 {
        %mul3A_422 = arith.constant 128 : i32
        %mul3A_423 = arith.muli %while3A_420, %mul3A_422 : i32
        %mul3A_424 = arith.constant 128 : i32
        %mul3A_425 = arith.muli %while3A_420, %mul3A_424 : i32
        %dma_wait3A_426 = tpu.memref_slice %arg21[%mul3A_425] : memref<1664xf32, #tpu.memory_space<vmem>> -> memref<128xf32, #tpu.memory_space<vmem>>
        %dma_wait3A_427 = tpu.memref_slice %arg18[%mul3A_423] : memref<1664xi32, #tpu.memory_space<vmem>> -> memref<128xi32, #tpu.memory_space<vmem>>
        %dma_wait3A_428 = arith.constant 0 : i32
        %dma_wait3A_429 = tpu.memref_slice %arg2[%dma_wait3A_428] : memref<800000xf32, #tpu.memory_space<hbm>> -> memref<800000xf32, #tpu.memory_space<hbm>>
        tpu.wait_indirect_dma semaphore(%arg27 : memref<!tpu.dma_semaphore, #tpu.memory_space<semaphore_mem>>) src(%dma_wait3A_429 : memref<800000xf32, #tpu.memory_space<hbm>>) dst(%dma_wait3A_426 : memref<128xf32, #tpu.memory_space<vmem>>)
        %while3A_430 = arith.constant 0 : i32
        scf.yield %while3A_430 : i32
      }
      %broadcast_in_dim3A_380 = vector.broadcast %scan3A_328 : i32 to vector<16xi32>
      %add3A_381 = arith.constant 15 : i32
      %add3A_382 = arith.addi %scan3A_328, %add3A_381 : i32
      %jit3A_383 = arith.constant 16 : i32
      %div3A_384 = arith.divsi %add3A_382, %jit3A_383 : i32
      %sign3A_385 = arith.constant 0 : i32
      %sign3A_386 = arith.cmpi sgt, %add3A_382, %sign3A_385 : i32
      %sign3A_387 = arith.extui %sign3A_386 : i1 to i32
      %sign3A_388 = arith.constant 0 : i32
      %sign3A_389 = arith.cmpi slt, %add3A_382, %sign3A_388 : i32
      %sign3A_390 = arith.extui %sign3A_389 : i1 to i32
      %sign3A_391 = arith.subi %sign3A_387, %sign3A_390 : i32
      %sign3A_392 = arith.constant 0 : i32
      %sign3A_393 = arith.cmpi sgt, %jit3A_383, %sign3A_392 : i32
      %sign3A_394 = arith.extui %sign3A_393 : i1 to i32
      %sign3A_395 = arith.constant 0 : i32
      %sign3A_396 = arith.cmpi slt, %jit3A_383, %sign3A_395 : i32
      %sign3A_397 = arith.extui %sign3A_396 : i1 to i32
      %sign3A_398 = arith.subi %sign3A_394, %sign3A_397 : i32
      %ne3A_399 = arith.cmpi ne, %sign3A_391, %sign3A_398 : i32
      %rem3A_400 = arith.remsi %add3A_382, %jit3A_383 : i32
      %ne3A_401 = arith.constant 0 : i32
      %ne3A_402 = arith.cmpi ne, %rem3A_400, %ne3A_401 : i32
      %and3A_403 = arith.andi %ne3A_399, %ne3A_402 : i1
      %sub3A_404 = arith.constant 1 : i32
      %sub3A_405 = arith.subi %div3A_384, %sub3A_404 : i32
      %select_n3A_406 = arith.select %and3A_403, %sub3A_405, %div3A_384 : i32
      %while3A_407 = arith.constant 0 : i32
      %while3A_408 = arith.constant 0 : i32
      %while3A_409 = arith.subi %select_n3A_406, %while3A_407 : i32
      %while3A_410 = arith.addi %while3A_407, %while3A_409 : i32
      %while3A_411 = arith.constant 1 : i32
      %while3A_412 = arith.divsi %while3A_409, %while3A_411 : i32
      %while3A_413 = arith.muli %while3A_412, %while3A_411 : i32
      %while3A_414 = arith.addi %while3A_407, %while3A_413 : i32
      %while3A_415 = arith.constant 1 : i32
      %while3A_416 = scf.for %while3A_420 = %while3A_407 to %while3A_414 step %while3A_415 iter_args(%while3A_421 = %while3A_408) -> (i32)  : i32 {
        %mul3A_422 = arith.constant 16 : i32
        %mul3A_423 = arith.muli %while3A_420, %mul3A_422 : i32
        %get3A_424 = arith.index_cast %mul3A_423 : i32 to index
        %get3A_425 = tpu.vector_load %arg19[%get3A_424] {strides = array<i32>} : memref<1664xi32, #tpu.memory_space<vmem>>, vector<16xi32>,
        %mul3A_426 = arith.constant 16 : i32
        %mul3A_427 = arith.muli %while3A_420, %mul3A_426 : i32
        %add3A_428 = vector.broadcast %mul3A_427 : i32 to vector<16xi32>
        %add3A_429 = arith.addi %iota3A, %add3A_428 : vector<16xi32>
        %lt3A_430 = arith.cmpi slt, %add3A_429, %broadcast_in_dim3A_380 : vector<16xi32>
        %get3A_431 = arith.index_cast %mul3A_423 : i32 to index
        %get3A_432 = tpu.vector_load %arg20[%get3A_431] {strides = array<i32>} : memref<1664xf32, #tpu.memory_space<vmem>>, vector<16xf32>,
        %get3A_433 = arith.index_cast %mul3A_423 : i32 to index
        %get3A_434 = tpu.vector_load %arg21[%get3A_433] {strides = array<i32>} : memref<1664xf32, #tpu.memory_space<vmem>>, vector<16xf32>,
        %mul3A_435 = arith.mulf %get3A_432, %get3A_434 : vector<16xf32>
        %jit3A_436 = arith.constant -1.000000e+00 : f32
        %broadcast_in_dim3A_437 = vector.broadcast %jit3A_436 : f32 to vector<16xf32>
        %select_n3A_438 = arith.select %lt3A_430, %mul3A_435, %broadcast_in_dim3A_437 : vector<16xi1>, vector<16xf32>
        %gather3A_439 = tpu.vector_load_idx %arg9[%get3A_425] : memref<100000xf32, #tpu.memory_space<vmem>>[vector<16xi32>], vector<16xf32>,
        %while3A_440 = scf.while (%while3A_442 = %gather3A_439) : (vector<16xf32>) -> vector<16xf32> {
          %gt3A = arith.cmpf ogt, %select_n3A_438, %while3A_442 : vector<16xf32>
          %all_reduce_population_count3A = tpu.all_reduce %gt3A {dim = 0 : i64, kind = #tpu.reduction_kind<sum>} : vector<16xi1> -> vector<16xi32>
          %slice3A = vector.extract_strided_slice %all_reduce_population_count3A {offsets = [0], sizes = [1], strides = [1]} : vector<16xi32> to vector<1xi32>
          %squeeze3A = vector.extract %slice3A[0] : i32 from vector<1xi32>
          %gt3A_443 = arith.constant 0 : i32
          %gt3A_444 = arith.cmpi sgt, %squeeze3A, %gt3A_443 : i32
          scf.condition(%gt3A_444) %while3A_442 : vector<16xf32>
        } do {
        ^bb0(%while3A_442: vector<16xf32>):
          %gt3A = arith.cmpf ogt, %select_n3A_438, %while3A_442 : vector<16xf32>
          tpu.vector_store_idx %arg9[%get3A_425], %select_n3A_438 masked %gt3A : memref<100000xf32, #tpu.memory_space<vmem>>[vector<16xi32>], vector<16xf32>, vector<16xi1>
          %gather3A_443 = tpu.vector_load_idx %arg9[%get3A_425] : memref<100000xf32, #tpu.memory_space<vmem>>[vector<16xi32>], vector<16xf32>,
          scf.yield %gather3A_443 : vector<16xf32>
        }
        %while3A_441 = arith.constant 0 : i32
        scf.yield %while3A_441 : i32
      }
      %while3A_417 = arith.constant 1 : i32
      %while3A_418 = scf.for %while3A_420 = %while3A_414 to %while3A_410 step %while3A_417 iter_args(%while3A_421 = %while3A_416) -> (i32)  : i32 {
        %mul3A_422 = arith.constant 16 : i32
        %mul3A_423 = arith.muli %while3A_420, %mul3A_422 : i32
        %get3A_424 = arith.index_cast %mul3A_423 : i32 to index
        %get3A_425 = tpu.vector_load %arg19[%get3A_424] {strides = array<i32>} : memref<1664xi32, #tpu.memory_space<vmem>>, vector<16xi32>,
        %mul3A_426 = arith.constant 16 : i32
        %mul3A_427 = arith.muli %while3A_420, %mul3A_426 : i32
        %add3A_428 = vector.broadcast %mul3A_427 : i32 to vector<16xi32>
        %add3A_429 = arith.addi %iota3A, %add3A_428 : vector<16xi32>
        %lt3A_430 = arith.cmpi slt, %add3A_429, %broadcast_in_dim3A_380 : vector<16xi32>
        %get3A_431 = arith.index_cast %mul3A_423 : i32 to index
        %get3A_432 = tpu.vector_load %arg20[%get3A_431] {strides = array<i32>} : memref<1664xf32, #tpu.memory_space<vmem>>, vector<16xf32>,
        %get3A_433 = arith.index_cast %mul3A_423 : i32 to index
        %get3A_434 = tpu.vector_load %arg21[%get3A_433] {strides = array<i32>} : memref<1664xf32, #tpu.memory_space<vmem>>, vector<16xf32>,
        %mul3A_435 = arith.mulf %get3A_432, %get3A_434 : vector<16xf32>
        %jit3A_436 = arith.constant -1.000000e+00 : f32
        %broadcast_in_dim3A_437 = vector.broadcast %jit3A_436 : f32 to vector<16xf32>
        %select_n3A_438 = arith.select %lt3A_430, %mul3A_435, %broadcast_in_dim3A_437 : vector<16xi1>, vector<16xf32>
        %gather3A_439 = tpu.vector_load_idx %arg9[%get3A_425] : memref<100000xf32, #tpu.memory_space<vmem>>[vector<16xi32>], vector<16xf32>,
        %while3A_440 = scf.while (%while3A_442 = %gather3A_439) : (vector<16xf32>) -> vector<16xf32> {
          %gt3A = arith.cmpf ogt, %select_n3A_438, %while3A_442 : vector<16xf32>
          %all_reduce_population_count3A = tpu.all_reduce %gt3A {dim = 0 : i64, kind = #tpu.reduction_kind<sum>} : vector<16xi1> -> vector<16xi32>
          %slice3A = vector.extract_strided_slice %all_reduce_population_count3A {offsets = [0], sizes = [1], strides = [1]} : vector<16xi32> to vector<1xi32>
          %squeeze3A = vector.extract %slice3A[0] : i32 from vector<1xi32>
          %gt3A_443 = arith.constant 0 : i32
          %gt3A_444 = arith.cmpi sgt, %squeeze3A, %gt3A_443 : i32
          scf.condition(%gt3A_444) %while3A_442 : vector<16xf32>
        } do {
        ^bb0(%while3A_442: vector<16xf32>):
          %gt3A = arith.cmpf ogt, %select_n3A_438, %while3A_442 : vector<16xf32>
          tpu.vector_store_idx %arg9[%get3A_425], %select_n3A_438 masked %gt3A : memref<100000xf32, #tpu.memory_space<vmem>>[vector<16xi32>], vector<16xf32>, vector<16xi1>
          %gather3A_443 = tpu.vector_load_idx %arg9[%get3A_425] : memref<100000xf32, #tpu.memory_space<vmem>>[vector<16xi32>], vector<16xf32>,
          scf.yield %gather3A_443 : vector<16xf32>
        }
        %while3A_441 = arith.constant 0 : i32
        scf.yield %while3A_441 : i32
      }
      %scan3A_419 = arith.constant 0 : i32
      scf.yield %scan3A_419 : i32
    }
    %scan3A_70 = arith.constant 250 : i32
    %dma_wait3A = arith.constant 0 : i32
    %dma_wait3A_71 = tpu.memref_slice %arg4[%dma_wait3A] : memref<3200000xi32, #tpu.memory_space<hbm>> -> memref<1600xi32, #tpu.memory_space<hbm>>
    %dma_wait3A_72 = arith.constant 0 : i32
    %dma_wait3A_73 = tpu.memref_slice %arg4[%dma_wait3A_72] : memref<3200000xi32, #tpu.memory_space<hbm>> -> memref<1600xi32, #tpu.memory_space<hbm>>
    tpu.wait_dma2 semaphore(%arg25 : memref<!tpu.dma_semaphore, #tpu.memory_space<semaphore_mem>>) src(%dma_wait3A_73 : memref<1600xi32, #tpu.memory_space<hbm>>) dst(%arg10 : memref<1600xi32, #tpu.memory_space<vmem>>)
    %dma_wait3A_74 = arith.constant 0 : i32
    %dma_wait3A_75 = tpu.memref_slice %arg5[%dma_wait3A_74] : memref<3200000xi32, #tpu.memory_space<hbm>> -> memref<1600xi32, #tpu.memory_space<hbm>>
    %dma_wait3A_76 = arith.constant 0 : i32
    %dma_wait3A_77 = tpu.memref_slice %arg5[%dma_wait3A_76] : memref<3200000xi32, #tpu.memory_space<hbm>> -> memref<1600xi32, #tpu.memory_space<hbm>>
    tpu.wait_dma2 semaphore(%arg25 : memref<!tpu.dma_semaphore, #tpu.memory_space<semaphore_mem>>) src(%dma_wait3A_77 : memref<1600xi32, #tpu.memory_space<hbm>>) dst(%arg12 : memref<1600xi32, #tpu.memory_space<vmem>>)
    %dma_wait3A_78 = arith.constant 0 : i32
    %dma_wait3A_79 = tpu.memref_slice %arg6[%dma_wait3A_78] : memref<3200000xi32, #tpu.memory_space<hbm>> -> memref<1600xi32, #tpu.memory_space<hbm>>
    %dma_wait3A_80 = arith.constant 0 : i32
    %dma_wait3A_81 = tpu.memref_slice %arg6[%dma_wait3A_80] : memref<3200000xi32, #tpu.memory_space<hbm>> -> memref<1600xi32, #tpu.memory_space<hbm>>
    tpu.wait_dma2 semaphore(%arg25 : memref<!tpu.dma_semaphore, #tpu.memory_space<semaphore_mem>>) src(%dma_wait3A_81 : memref<1600xi32, #tpu.memory_space<hbm>>) dst(%arg14 : memref<1600xi32, #tpu.memory_space<vmem>>)
    %dma_wait3A_82 = arith.constant 0 : i32
    %dma_wait3A_83 = tpu.memref_slice %arg3[%dma_wait3A_82] : memref<3200000xf32, #tpu.memory_space<hbm>> -> memref<1600xf32, #tpu.memory_space<hbm>>
    %dma_wait3A_84 = arith.constant 0 : i32
    %dma_wait3A_85 = tpu.memref_slice %arg3[%dma_wait3A_84] : memref<3200000xf32, #tpu.memory_space<hbm>> -> memref<1600xf32, #tpu.memory_space<hbm>>
    tpu.wait_dma2 semaphore(%arg25 : memref<!tpu.dma_semaphore, #tpu.memory_space<semaphore_mem>>) src(%dma_wait3A_85 : memref<1600xf32, #tpu.memory_space<hbm>>) dst(%arg16 : memref<1600xf32, #tpu.memory_space<vmem>>)
    %mul3A_86 = arith.constant 8 : i32
    %mul3A_87 = arith.muli %arg0, %mul3A_86 : i32
    %jit3A_88 = arith.constant 2 : i32
    %div3A_89 = arith.divsi %arg1, %jit3A_88 : i32
    %sign3A_90 = arith.constant 0 : i32
    %sign3A_91 = arith.cmpi sgt, %arg1, %sign3A_90 : i32
    %sign3A_92 = arith.extui %sign3A_91 : i1 to i32
    %sign3A_93 = arith.constant 0 : i32
    %sign3A_94 = arith.cmpi slt, %arg1, %sign3A_93 : i32
    %sign3A_95 = arith.extui %sign3A_94 : i1 to i32
    %sign3A_96 = arith.subi %sign3A_92, %sign3A_95 : i32
    %sign3A_97 = arith.constant 0 : i32
    %sign3A_98 = arith.cmpi sgt, %jit3A_88, %sign3A_97 : i32
    %sign3A_99 = arith.extui %sign3A_98 : i1 to i32
    %sign3A_100 = arith.constant 0 : i32
    %sign3A_101 = arith.cmpi slt, %jit3A_88, %sign3A_100 : i32
    %sign3A_102 = arith.extui %sign3A_101 : i1 to i32
    %sign3A_103 = arith.subi %sign3A_99, %sign3A_102 : i32
    %ne3A_104 = arith.cmpi ne, %sign3A_96, %sign3A_103 : i32
    %rem3A_105 = arith.remsi %arg1, %jit3A_88 : i32
    %ne3A_106 = arith.constant 0 : i32
    %ne3A_107 = arith.cmpi ne, %rem3A_105, %ne3A_106 : i32
    %and3A_108 = arith.andi %ne3A_104, %ne3A_107 : i1
    %sub3A_109 = arith.constant 1 : i32
    %sub3A_110 = arith.subi %div3A_89, %sub3A_109 : i32
    %select_n3A_111 = arith.select %and3A_108, %sub3A_110, %div3A_89 : i32
    %add3A_112 = arith.addi %mul3A_87, %select_n3A_111 : i32
    %jit3A_113 = arith.constant 2 : i32
    %eq3A_114 = arith.constant 0 : i32
    %eq3A_115 = arith.cmpi eq, %jit3A_113, %eq3A_114 : i32
    %jit3A_116 = arith.constant 1 : i32
    %select_n3A_117 = arith.select %eq3A_115, %jit3A_116, %jit3A_113 : i32
    %rem3A_118 = arith.remsi %select_n3A_30, %select_n3A_117 : i32
    %ne3A_119 = arith.constant 0 : i32
    %ne3A_120 = arith.cmpi ne, %rem3A_118, %ne3A_119 : i32
    %lt3A_121 = arith.constant 0 : i32
    %lt3A_122 = arith.cmpi slt, %rem3A_118, %lt3A_121 : i32
    %lt3A_123 = arith.constant 0 : i32
    %lt3A_124 = arith.cmpi slt, %select_n3A_117, %lt3A_123 : i32
    %ne3A_125 = arith.xori %lt3A_122, %lt3A_124 : i1
    %and3A_126 = arith.andi %ne3A_125, %ne3A_120 : i1
    %add3A_127 = arith.addi %rem3A_118, %select_n3A_117 : i32
    %select_n3A_128 = arith.select %and3A_126, %add3A_127, %rem3A_118 : i32
    %eq3A_129 = arith.constant 1 : i32
    %eq3A_130 = arith.cmpi eq, %select_n3A_128, %eq3A_129 : i32
    %convert_element_type3A = arith.extui %eq3A_130 : i1 to i32
    %cond3A = arith.constant 0 : i32
    %cond3A_131 = arith.cmpi ne, %convert_element_type3A, %cond3A : i32
    scf.if %cond3A_131 {
      %mul3A_165 = arith.constant 100000 : i32
      %mul3A_166 = arith.muli %add3A_112, %mul3A_165 : i32
      "tpu.region"() ({
        %run_scoped3A = tpu.sem_alloc : memref<!tpu.dma_semaphore, #tpu.memory_space<semaphore_mem>>
        %dma_start3A_167 = tpu.memref_slice %arg24[%mul3A_166] : memref<1600000xf32, #tpu.memory_space<hbm>> -> memref<100000xf32, #tpu.memory_space<hbm>>
        %dma_start3A_168 = tpu.memref_slice %arg24[%mul3A_166] : memref<1600000xf32, #tpu.memory_space<hbm>> -> memref<100000xf32, #tpu.memory_space<hbm>>
        tpu.enqueue_dma source(%arg9 : memref<100000xf32, #tpu.memory_space<vmem>>) target(%dma_start3A_168 : memref<100000xf32, #tpu.memory_space<hbm>>) target_semaphore(%run_scoped3A : memref<!tpu.dma_semaphore, #tpu.memory_space<semaphore_mem>>)
        %dma_wait3A_169 = tpu.memref_slice %arg24[%mul3A_166] : memref<1600000xf32, #tpu.memory_space<hbm>> -> memref<100000xf32, #tpu.memory_space<hbm>>
        %dma_wait3A_170 = tpu.memref_slice %arg24[%mul3A_166] : memref<1600000xf32, #tpu.memory_space<hbm>> -> memref<100000xf32, #tpu.memory_space<hbm>>
        tpu.wait_dma2 semaphore(%run_scoped3A : memref<!tpu.dma_semaphore, #tpu.memory_space<semaphore_mem>>) src(%arg9 : memref<100000xf32, #tpu.memory_space<vmem>>) dst(%dma_wait3A_170 : memref<100000xf32, #tpu.memory_space<hbm>>)
        tpu.yield
      }) : () -> ()
    } else {
    }
    %barrier3A = arith.constant 0 : index
    tpu.barrier barrier_id(%barrier3A)
    %jit3A_132 = arith.constant 2 : i32
    %eq3A_133 = arith.constant 0 : i32
    %eq3A_134 = arith.cmpi eq, %jit3A_132, %eq3A_133 : i32
    %jit3A_135 = arith.constant 1 : i32
    %select_n3A_136 = arith.select %eq3A_134, %jit3A_135, %jit3A_132 : i32
    %rem3A_137 = arith.remsi %select_n3A_30, %select_n3A_136 : i32
    %ne3A_138 = arith.constant 0 : i32
    %ne3A_139 = arith.cmpi ne, %rem3A_137, %ne3A_138 : i32
    %lt3A_140 = arith.constant 0 : i32
    %lt3A_141 = arith.cmpi slt, %rem3A_137, %lt3A_140 : i32
    %lt3A_142 = arith.constant 0 : i32
    %lt3A_143 = arith.cmpi slt, %select_n3A_136, %lt3A_142 : i32
    %ne3A_144 = arith.xori %lt3A_141, %lt3A_143 : i1
    %and3A_145 = arith.andi %ne3A_144, %ne3A_139 : i1
    %add3A_146 = arith.addi %rem3A_137, %select_n3A_136 : i32
    %select_n3A_147 = arith.select %and3A_145, %add3A_146, %rem3A_137 : i32
    %eq3A_148 = arith.constant 0 : i32
    %eq3A_149 = arith.cmpi eq, %select_n3A_147, %eq3A_148 : i32
    %convert_element_type3A_150 = arith.extui %eq3A_149 : i1 to i32
    %cond3A_151 = arith.constant 0 : i32
    %cond3A_152 = arith.cmpi ne, %convert_element_type3A_150, %cond3A_151 : i32
    scf.if %cond3A_152 {
      %scan3A_165 = arith.constant 0 : i32
      %scan3A_166 = arith.constant 0 : i32
      %scan3A_167 = arith.constant 10 : i32
      %scan3A_168 = arith.addi %scan3A_166, %scan3A_167 : i32
      %scan3A_169 = arith.constant 1 : i32
      %scan3A_170 = scf.for %scan3A_172 = %scan3A_166 to %scan3A_168 step %scan3A_169 iter_args(%scan3A_173 = %scan3A_165) -> (i32)  : i32 {
        %mul3A_174 = arith.constant 100000 : i32
        %mul3A_175 = arith.muli %add3A_112, %mul3A_174 : i32
        %mul3A_176 = arith.constant 10000 : i32
        %mul3A_177 = arith.muli %scan3A_172, %mul3A_176 : i32
        %add3A_178 = arith.addi %mul3A_175, %mul3A_177 : i32
        "tpu.region"() ({
          %run_scoped3A = tpu.sem_alloc : memref<!tpu.dma_semaphore, #tpu.memory_space<semaphore_mem>>
          %dma_start3A_187 = tpu.memref_slice %arg24[%add3A_178] : memref<1600000xf32, #tpu.memory_space<hbm>> -> memref<10000xf32, #tpu.memory_space<hbm>>
          %dma_start3A_188 = tpu.memref_slice %arg24[%add3A_178] : memref<1600000xf32, #tpu.memory_space<hbm>> -> memref<10000xf32, #tpu.memory_space<hbm>>
          tpu.enqueue_dma source(%dma_start3A_188 : memref<10000xf32, #tpu.memory_space<hbm>>) target(%arg22 : memref<10000xf32, #tpu.memory_space<vmem>>) target_semaphore(%run_scoped3A : memref<!tpu.dma_semaphore, #tpu.memory_space<semaphore_mem>>)
          %dma_wait3A_189 = tpu.memref_slice %arg24[%add3A_178] : memref<1600000xf32, #tpu.memory_space<hbm>> -> memref<10000xf32, #tpu.memory_space<hbm>>
          %dma_wait3A_190 = tpu.memref_slice %arg24[%add3A_178] : memref<1600000xf32, #tpu.memory_space<hbm>> -> memref<10000xf32, #tpu.memory_space<hbm>>
          tpu.wait_dma2 semaphore(%run_scoped3A : memref<!tpu.dma_semaphore, #tpu.memory_space<semaphore_mem>>) src(%dma_wait3A_190 : memref<10000xf32, #tpu.memory_space<hbm>>) dst(%arg22 : memref<10000xf32, #tpu.memory_space<vmem>>)
          tpu.yield
        }) : () -> ()
        %scan3A_179 = arith.constant 0 : i32
        %scan3A_180 = arith.constant 0 : i32
        %scan3A_181 = arith.constant 625 : i32
        %scan3A_182 = arith.addi %scan3A_180, %scan3A_181 : i32
        %scan3A_183 = arith.constant 1 : i32
        %scan3A_184 = scf.for %scan3A_187 = %scan3A_180 to %scan3A_182 step %scan3A_183 iter_args(%scan3A_188 = %scan3A_179) -> (i32)  : i32 {
          %mul3A_189 = arith.constant 10000 : i32
          %mul3A_190 = arith.muli %scan3A_172, %mul3A_189 : i32
          %mul3A_191 = arith.constant 16 : i32
          %mul3A_192 = arith.muli %scan3A_187, %mul3A_191 : i32
          %add3A_193 = arith.addi %mul3A_190, %mul3A_192 : i32
          %get3A_194 = arith.index_cast %add3A_193 : i32 to index
          %get3A_195 = tpu.vector_load %arg9[%get3A_194] {strides = array<i32>} : memref<100000xf32, #tpu.memory_space<vmem>>, vector<16xf32>,
          %mul3A_196 = arith.constant 16 : i32
          %mul3A_197 = arith.muli %scan3A_187, %mul3A_196 : i32
          %get3A_198 = arith.index_cast %mul3A_197 : i32 to index
          %get3A_199 = tpu.vector_load %arg22[%get3A_198] {strides = array<i32>} : memref<10000xf32, #tpu.memory_space<vmem>>, vector<16xf32>,
          %max3A = arith.maximumf %get3A_195, %get3A_199 : vector<16xf32>
          %swap3A = arith.index_cast %add3A_193 : i32 to index
          %swap3A_200 = tpu.vector_load %arg9[%swap3A] {strides = array<i32>} : memref<100000xf32, #tpu.memory_space<vmem>>, vector<16xf32>,
          tpu.vector_store %arg9[%swap3A], %max3A {strides = array<i32>} : memref<100000xf32, #tpu.memory_space<vmem>>, vector<16xf32>,
          %scan3A_201 = arith.constant 0 : i32
          scf.yield %scan3A_201 : i32
        }
        %scan3A_185 = arith.constant 625 : i32
        %scan3A_186 = arith.constant 0 : i32
        scf.yield %scan3A_186 : i32
      }
      %scan3A_171 = arith.constant 10 : i32
    } else {
    }
    %barrier3A_153 = arith.constant 0 : index
    tpu.barrier barrier_id(%barrier3A_153)
    %eq3A_154 = arith.constant 2 : i32
    %eq3A_155 = arith.cmpi eq, %select_n3A_30, %eq3A_154 : i32
    %convert_element_type3A_156 = arith.extui %eq3A_155 : i1 to i32
    %cond3A_157 = arith.constant 0 : i32
    %cond3A_158 = arith.cmpi ne, %convert_element_type3A_156, %cond3A_157 : i32
    scf.if %cond3A_158 {
      %mul3A_165 = arith.constant 100000 : i32
      %mul3A_166 = arith.muli %add3A_112, %mul3A_165 : i32
      "tpu.region"() ({
        %run_scoped3A = tpu.sem_alloc : memref<!tpu.dma_semaphore, #tpu.memory_space<semaphore_mem>>
        %dma_start3A_167 = tpu.memref_slice %arg24[%mul3A_166] : memref<1600000xf32, #tpu.memory_space<hbm>> -> memref<100000xf32, #tpu.memory_space<hbm>>
        %dma_start3A_168 = tpu.memref_slice %arg24[%mul3A_166] : memref<1600000xf32, #tpu.memory_space<hbm>> -> memref<100000xf32, #tpu.memory_space<hbm>>
        tpu.enqueue_dma source(%arg9 : memref<100000xf32, #tpu.memory_space<vmem>>) target(%dma_start3A_168 : memref<100000xf32, #tpu.memory_space<hbm>>) target_semaphore(%run_scoped3A : memref<!tpu.dma_semaphore, #tpu.memory_space<semaphore_mem>>)
        %dma_wait3A_169 = tpu.memref_slice %arg24[%mul3A_166] : memref<1600000xf32, #tpu.memory_space<hbm>> -> memref<100000xf32, #tpu.memory_space<hbm>>
        %dma_wait3A_170 = tpu.memref_slice %arg24[%mul3A_166] : memref<1600000xf32, #tpu.memory_space<hbm>> -> memref<100000xf32, #tpu.memory_space<hbm>>
        tpu.wait_dma2 semaphore(%run_scoped3A : memref<!tpu.dma_semaphore, #tpu.memory_space<semaphore_mem>>) src(%arg9 : memref<100000xf32, #tpu.memory_space<vmem>>) dst(%dma_wait3A_170 : memref<100000xf32, #tpu.memory_space<hbm>>)
        tpu.yield
      }) : () -> ()
    } else {
    }
    %barrier3A_159 = arith.constant 0 : index
    tpu.barrier barrier_id(%barrier3A_159)
    %eq3A_160 = arith.constant 0 : i32
    %eq3A_161 = arith.cmpi eq, %select_n3A_30, %eq3A_160 : i32
    %convert_element_type3A_162 = arith.extui %eq3A_161 : i1 to i32
    %cond3A_163 = arith.constant 0 : i32
    %cond3A_164 = arith.cmpi ne, %convert_element_type3A_162, %cond3A_163 : i32
    scf.if %cond3A_164 {
      %add3A_165 = arith.constant 1 : i32
      %add3A_166 = arith.addi %add3A_112, %add3A_165 : i32
      %scan3A_167 = arith.constant 0 : i32
      %scan3A_168 = arith.constant 0 : i32
      %scan3A_169 = arith.constant 10 : i32
      %scan3A_170 = arith.addi %scan3A_168, %scan3A_169 : i32
      %scan3A_171 = arith.constant 1 : i32
      %scan3A_172 = scf.for %scan3A_176 = %scan3A_168 to %scan3A_170 step %scan3A_171 iter_args(%scan3A_177 = %scan3A_167) -> (i32)  : i32 {
        %mul3A_178 = arith.constant 100000 : i32
        %mul3A_179 = arith.muli %add3A_166, %mul3A_178 : i32
        %mul3A_180 = arith.constant 10000 : i32
        %mul3A_181 = arith.muli %scan3A_176, %mul3A_180 : i32
        %add3A_182 = arith.addi %mul3A_179, %mul3A_181 : i32
        "tpu.region"() ({
          %run_scoped3A = tpu.sem_alloc : memref<!tpu.dma_semaphore, #tpu.memory_space<semaphore_mem>>
          %dma_start3A_191 = tpu.memref_slice %arg24[%add3A_182] : memref<1600000xf32, #tpu.memory_space<hbm>> -> memref<10000xf32, #tpu.memory_space<hbm>>
          %dma_start3A_192 = tpu.memref_slice %arg24[%add3A_182] : memref<1600000xf32, #tpu.memory_space<hbm>> -> memref<10000xf32, #tpu.memory_space<hbm>>
          tpu.enqueue_dma source(%dma_start3A_192 : memref<10000xf32, #tpu.memory_space<hbm>>) target(%arg22 : memref<10000xf32, #tpu.memory_space<vmem>>) target_semaphore(%run_scoped3A : memref<!tpu.dma_semaphore, #tpu.memory_space<semaphore_mem>>)
          %dma_wait3A_193 = tpu.memref_slice %arg24[%add3A_182] : memref<1600000xf32, #tpu.memory_space<hbm>> -> memref<10000xf32, #tpu.memory_space<hbm>>
          %dma_wait3A_194 = tpu.memref_slice %arg24[%add3A_182] : memref<1600000xf32, #tpu.memory_space<hbm>> -> memref<10000xf32, #tpu.memory_space<hbm>>
          tpu.wait_dma2 semaphore(%run_scoped3A : memref<!tpu.dma_semaphore, #tpu.memory_space<semaphore_mem>>) src(%dma_wait3A_194 : memref<10000xf32, #tpu.memory_space<hbm>>) dst(%arg22 : memref<10000xf32, #tpu.memory_space<vmem>>)
          tpu.yield
        }) : () -> ()
        %scan3A_183 = arith.constant 0 : i32
        %scan3A_184 = arith.constant 0 : i32
        %scan3A_185 = arith.constant 625 : i32
        %scan3A_186 = arith.addi %scan3A_184, %scan3A_185 : i32
        %scan3A_187 = arith.constant 1 : i32
        %scan3A_188 = scf.for %scan3A_191 = %scan3A_184 to %scan3A_186 step %scan3A_187 iter_args(%scan3A_192 = %scan3A_183) -> (i32)  : i32 {
          %mul3A_193 = arith.constant 10000 : i32
          %mul3A_194 = arith.muli %scan3A_176, %mul3A_193 : i32
          %mul3A_195 = arith.constant 16 : i32
          %mul3A_196 = arith.muli %scan3A_191, %mul3A_195 : i32
          %add3A_197 = arith.addi %mul3A_194, %mul3A_196 : i32
          %get3A_198 = arith.index_cast %add3A_197 : i32 to index
          %get3A_199 = tpu.vector_load %arg9[%get3A_198] {strides = array<i32>} : memref<100000xf32, #tpu.memory_space<vmem>>, vector<16xf32>,
          %mul3A_200 = arith.constant 16 : i32
          %mul3A_201 = arith.muli %scan3A_191, %mul3A_200 : i32
          %get3A_202 = arith.index_cast %mul3A_201 : i32 to index
          %get3A_203 = tpu.vector_load %arg22[%get3A_202] {strides = array<i32>} : memref<10000xf32, #tpu.memory_space<vmem>>, vector<16xf32>,
          %max3A = arith.maximumf %get3A_199, %get3A_203 : vector<16xf32>
          %swap3A = arith.index_cast %add3A_197 : i32 to index
          %swap3A_204 = tpu.vector_load %arg9[%swap3A] {strides = array<i32>} : memref<100000xf32, #tpu.memory_space<vmem>>, vector<16xf32>,
          tpu.vector_store %arg9[%swap3A], %max3A {strides = array<i32>} : memref<100000xf32, #tpu.memory_space<vmem>>, vector<16xf32>,
          %scan3A_205 = arith.constant 0 : i32
          scf.yield %scan3A_205 : i32
        }
        %scan3A_189 = arith.constant 625 : i32
        %scan3A_190 = arith.constant 0 : i32
        scf.yield %scan3A_190 : i32
      }
      %scan3A_173 = arith.constant 10 : i32
      %mul3A_174 = arith.constant 100000 : i32
      %mul3A_175 = arith.muli %add3A, %mul3A_174 : i32
      "tpu.region"() ({
        %run_scoped3A = tpu.sem_alloc : memref<!tpu.dma_semaphore, #tpu.memory_space<semaphore_mem>>
        %dma_start3A_176 = tpu.memref_slice %arg8[%mul3A_175] : memref<800000xf32, #tpu.memory_space<hbm>> -> memref<100000xf32, #tpu.memory_space<hbm>>
        %dma_start3A_177 = tpu.memref_slice %arg8[%mul3A_175] : memref<800000xf32, #tpu.memory_space<hbm>> -> memref<100000xf32, #tpu.memory_space<hbm>>
        tpu.enqueue_dma source(%arg9 : memref<100000xf32, #tpu.memory_space<vmem>>) target(%dma_start3A_177 : memref<100000xf32, #tpu.memory_space<hbm>>) target_semaphore(%run_scoped3A : memref<!tpu.dma_semaphore, #tpu.memory_space<semaphore_mem>>)
        %dma_wait3A_178 = tpu.memref_slice %arg8[%mul3A_175] : memref<800000xf32, #tpu.memory_space<hbm>> -> memref<100000xf32, #tpu.memory_space<hbm>>
        %dma_wait3A_179 = tpu.memref_slice %arg8[%mul3A_175] : memref<800000xf32, #tpu.memory_space<hbm>> -> memref<100000xf32, #tpu.memory_space<hbm>>
        tpu.wait_dma2 semaphore(%run_scoped3A : memref<!tpu.dma_semaphore, #tpu.memory_space<semaphore_mem>>) src(%arg9 : memref<100000xf32, #tpu.memory_space<vmem>>) dst(%dma_wait3A_179 : memref<100000xf32, #tpu.memory_space<hbm>>)
        tpu.yield
      }) : () -> ()
    } else {
    }
    return
  }
}

</mosaic_0001>

<sc_bundles>
// kernel: kernel.3.cloned.1.call-start
scs
__scs_entry_jumppad:
0x0: {  	(pc) =	sbr.rel $0x88, $3  }
0x1: {  	(tag) =	ssettag $0x0;
	lr =	simm.s32 $0x1  }
0x2: {  	[smem:$0x3F9C] =	sst lr;
	_ =	strace $0xD0000000  }
0x3: {  	_ = 	snop  }
0x4: {  	_ = 	snop  }
0x5: {  	_ = 	snop  }
0x6: {  	_ = 	snop  }
0x7: {  	_ = 	snop  }
__scs_overlays_trampoline_lowered:
0x8: {  	[smem:$0x3FAB] =	sst s0  }
0x9: {  	[smem:$0x3FAC] =	sst s1  }
0xa: {  	[smem:$0x3FAD] =	sst s2  }
0xb: {  	[smem:$0x3FAE] =	sst s3  }
0xc: {  	[smem:$0x3FAF] =	sst s4  }
0xd: {  	[smem:$0x3FB0] =	sst s5  }
0xe: {  	[smem:$0x3FB1] =	sst s6  }
0xf: {  	[smem:$0x3FB2] =	sst s7  }
0x10: {  	[smem:$0x3FB3] =	sst s8  }
0x11: {  	[smem:$0x3FB4] =	sst s9;
	s0 =	simm.s32 @!p0 $0x0  }
0x12: {  	s1 =	sld [smem:$0x3F9A];
	s0 =	simm.s32 @p0 $0x1  }
0x13: {  	[smem:$0x3FB5] =	sst s0;
	s0 =	simm.s32 @!p1 $0x0  }
0x14: {  	s2 =	sld [smem:$0x3F99];
	s0 =	simm.s32 @p1 $0x1  }
0x15: {  	[smem:$0x3FB6] =	sst s0;
	s0 =	simm.s32 @!p2 $0x0  }
0x16: {  	s3 =	sld [smem:$0x3FDB];
	s0 =	simm.s32 @p2 $0x1  }
0x17: {  	s4 =	simm.s32 $0x1BF5;
	[smem:$0x3FB8] =	sst s0  }
0x18: {  	s0 =	sld [smem:$0x3F9B];
	_ =	swait.ge [sflag:s4], $0x0  }
0x19: {  	s7 =	sld [smem:$0x3F9C]  }
0x1a: {  	s8 =	sadd.s32 $0xFFFFE003, lr  }
0x1b: {  	s9 =	sadd.s32 $0xFFFFFEF7, lr;
	s5 =	simm.s32 $0xFFFFFFFF;
	p2 =	slt.u32 s8, $0xFFFFF086  }
0x1c: {  	p1 =	slt.u32 s9, $0xF7A;
	s5 =	simm.s32 @!p2 $0x0  }
0x1d: {  	s5 =	simm.s32 @p1 $0x1;
	p0 =	seq.s32 s7, s2  }
0x1e: {  	s7 =	smul.u32 @!p0 $0xF7A, s2;
	p2 =	seq.s32 @!p0 s5, $0x0  }
0x1f: {  	s9 =	smul.u32 $0xF7A, s1;
	s8 =	simm.s32 @!p0 $0x1BF5;
	p2 =	por !p2, p0  }
0x20: {  	[sflag:s8] =	ssyncset.s32 @!p0 $0xFFFFF086;
	s6 =	sadd.s32 @!p0 s3, s7;
	s7 =	simm.s32 @!p0 $0x108  }
0x21: {  	s3 =	sadd.s32 s3, s9;
	s6 =	sadd.s32 @!p0 $0x88, s6;
	s7 =	simm.s32 @p2 $0x1082  }
0x22: {  	[simem:s7], [sflag:s8] =	dma.local @!p0 [hbm:s6], $0xF7A  }
0x23: {  	s9 =	sor.u32 $0xD0000000, s2;
	s6 =	simm.s32 $0x108;
	_ =	swait.ge @!p0 [sflag:s8], $0x0  }
0x24: {  	s3 =	sadd.s32 $0x88, s3;
	s6 =	simm.s32 @!p1 $0x1082;
	[sflag:s4] =	ssyncset.s32 $0xFFFFF086  }
0x25: {  	[simem:s6], [sflag:s4] =	dma.local [hbm:s3], $0xF7A  }
0x26: {  	[smem:$0x3F9C] =	sst s1;
	(tag) =	ssettag s2;
	_ =	strace s9  }
0x27: {  	s1 =	sld [smem:$0x3FAC]  }
0x28: {  	s2 =	sld [smem:$0x3FAD]  }
0x29: {  	s4 =	sld [smem:$0x3FAF]  }
0x2a: {  	p0 =	seq.s32 s5, $0x0;
	s5 =	sld [smem:$0x3FB0]  }
0x2b: {  	s6 =	sld [smem:$0x3FB1]  }
0x2c: {  	s7 =	sld [smem:$0x3FB2]  }
0x2d: {  	s3 =	simm.s32 $0x108;
	s8 =	sld [smem:$0x3FB3]  }
0x2e: {  	s3 =	simm.s32 @!p0 $0x1082;
	s9 =	sld [smem:$0x3FB4]  }
0x2f: {  	lr =	sadd.s32 s0, s3;
	s0 =	sld [smem:$0x3FAB]  }
0x30: {  	s3 =	sld [smem:$0x3FAE]  }
0x31: {  	[smem:$0x3FB7] =	sst s10  }
0x32: {  	s10 =	sld [smem:$0x3FB5];
	_ =	sdelay $0x3  }
0x33: {  	p0 =	seq.s32 s10, $0x1;
	s10 =	sld [smem:$0x3FB7];
	_ =	sdelay $0x3  }
0x34: {  	[smem:$0x3FB7] =	sst s10  }
0x35: {  	s10 =	sld [smem:$0x3FB6];
	_ =	sdelay $0x3  }
0x36: {  	p1 =	seq.s32 s10, $0x1;
	s10 =	sld [smem:$0x3FB7];
	_ =	sdelay $0x3  }
0x37: {  	[smem:$0x3FB7] =	sst s10  }
0x38: {  	s10 =	sld [smem:$0x3FB8]  }
0x39: {  	_ = 	snop;
	(pc) =	sbr.ind lr, $3  }
0x3a: {  	_ = 	snop  }
0x3b: {  	_ = 	snop  }
0x3c: {  	p2 =	seq.s32 s10, $0x1;
	s10 =	sld [smem:$0x3FB7]  }
0x3d: {  	_ =	shalt  }
0x3e: {  	_ =	shalt  }
0x3f: {  	_ =	shalt  }
0x40: {  	_ =	shalt  }
0x41: {  	_ =	shalt  }
0x42: {  	_ =	shalt  }
0x43: {  	_ =	shalt  }
0x44: {  	_ =	shalt  }
0x45: {  	_ =	shalt  }
0x46: {  	_ =	shalt  }
0x47: {  	_ =	shalt  }
0x48: {  	_ =	shalt  }
0x49: {  	_ =	shalt  }
0x4a: {  	_ =	shalt  }
0x4b: {  	_ =	shalt  }
0x4c: {  	_ =	shalt  }
0x4d: {  	_ =	shalt  }
0x4e: {  	_ =	shalt  }
0x4f: {  	_ =	shalt  }
0x50: {  	_ =	shalt  }
0x51: {  	_ =	shalt  }
0x52: {  	_ =	shalt  }
0x53: {  	_ =	shalt  }
0x54: {  	_ =	shalt  }
0x55: {  	_ =	shalt  }
0x56: {  	_ =	shalt  }
0x57: {  	_ =	shalt  }
0x58: {  	_ =	shalt  }
0x59: {  	_ =	shalt  }
0x5a: {  	_ =	shalt  }
0x5b: {  	_ =	shalt  }
0x5c: {  	_ =	shalt  }
0x5d: {  	_ =	shalt  }
0x5e: {  	_ =	shalt  }
0x5f: {  	_ =	shalt  }
0x60: {  	_ =	shalt  }
0x61: {  	_ =	shalt  }
0x62: {  	_ =	shalt  }
0x63: {  	_ =	shalt  }
0x64: {  	_ =	shalt  }
0x65: {  	_ =	shalt  }
0x66: {  	_ =	shalt  }
0x67: {  	_ =	shalt  }
0x68: {  	_ =	shalt  }
0x69: {  	_ =	shalt  }
0x6a: {  	_ =	shalt  }
0x6b: {  	_ =	shalt  }
0x6c: {  	_ =	shalt  }
0x6d: {  	_ =	shalt  }
0x6e: {  	_ =	shalt  }
0x6f: {  	_ =	shalt  }
0x70: {  	_ =	shalt  }
0x71: {  	_ =	shalt  }
0x72: {  	_ =	shalt  }
0x73: {  	_ =	shalt  }
0x74: {  	_ =	shalt  }
0x75: {  	_ =	shalt  }
0x76: {  	_ =	shalt  }
0x77: {  	_ =	shalt  }
0x78: {  	_ =	shalt  }
0x79: {  	_ =	shalt  }
0x7a: {  	_ =	shalt  }
0x7b: {  	_ =	shalt  }
0x7c: {  	_ =	shalt  }
0x7d: {  	_ =	shalt  }
0x7e: {  	_ =	shalt  }
0x7f: {  	_ =	shalt  }
0x80: {  	_ =	shalt  }
0x81: {  	_ =	shalt  }
0x82: {  	_ =	shalt  }
0x83: {  	_ =	shalt  }
0x84: {  	_ =	shalt  }
0x85: {  	_ =	shalt  }
0x86: {  	_ =	shalt  }
0x87: {  	_ =	shalt  }
.Lfunc_end0:
.L_simem_size_0:
called_computation_lowered:
.L_overlay_start_0:
0x88: {  	s2 =	sld [smem:$0x3FD9]  }
0x89: {  	s3 =	sld [smem:$0x3FFE];
	_ =	sdelay $0x1  }
0x8a: {  	s1 =	srdreg.scid  }
0x8b: {  	s0 =	sand.u32 $0x1, s1  }
0x8c: {  	s18 =	sshll.u32 s0, $0xA;
	s2 =	sadd.s32 s3, s2  }
0x8d: {  	s3 =	sadd.s32 s2, s18  }
0x8e: {  	[smem:$0x3FC3] =	sst s3  }
0x8f: {  	_ = 	snop  }
0x90: {  	s3 =	sld [smem:$0x3FC8]  }
0x91: {  	s4 =	sld [smem:$0x3FC6]  }
0x92: {  	s5 =	sld [smem:$0x3FD0];
	(tm) =	ssettm $0x1  }
0x93: {  	s6 =	sld [smem:$0x3FFB];
	_ =	sdelay $0x3  }
0x94: {  	_ =	strace s6  }
0x95: {  	s6 =	sld [smem:$0x3FFC];
	_ =	sdelay $0x3  }
0x96: {  	_ =	strace s6  }
0x97: {  	s6 =	sld [smem:$0x3FFD];
	_ =	sdelay $0x3  }
0x98: {  	_ =	strace s6  }
0x99: {  	_ =	strace $0x8FFFFFFF  }
0x9a: {  	s19 =	sld [smem:$0x3FDB];
	_ =	sdelay $0x1  }
0x9b: {  	s7 =	simm.s32 $_scs_section_size  }
0x9c: {  	s8 =	simm.s32 $_size__tile_overlayer_lowered;
	s9 =	simm.s32 $_tile_overlayer_lowered  }
0x9d: {  	s22 =	simm.s32 $0x1BFF;
	s21 =	sshll.u32 s9, $0x1;
	s6 =	sadd.s32 s7, s19  }
0x9e: {  	s10 =	simm.s32 $0x0;
	s20 =	sshll.u32 s8, $0x1;
	s8 =	sadd.s32 s21, s6  }
0x9f: {  	[timem:s10], [sflag:s22] =	dma.local [hbm:s8], s20  }
0xa0: {  	_ =	swait.ge [sflag:s22], s20  }
0xa1: {  	s7 =	ssub.s32 $0x0, s20;
	[sflag:s22] =	ssyncset.done $0x0  }
0xa2: {  	[sflag:s22] =	ssyncadd.s32 s7;
	_ =	sdelay $0x1  }
0xa3: {  	s23 =	simm.s32 $0x1B8B  }
0xa4: {  	_ =	swait.ge [sflag:s23], $0x1  }
0xa5: {  	[sflag:s23] =	ssyncset.done $0x0  }
0xa6: {  	s25 =	simm.s32 $0x1B8E;
	s24 =	sld [smem:$0x3FFE];
	[sflag:s23] =	ssyncadd.s32 $0xFFFFFFFF  }
0xa7: {  	s26 =	simm.s32 $execute0_lowered;
	[smem:$0x3FD2] =	sst s25  }
0xa8: {  	s8 =	sshll.u32 s26, $0x1;
	_ =	strace $0x80000046;
	[dreg:$0x1] =	wrdreg $0xFFFFFFFF  }
0xa9: {  	s28 =	simm.s32 $_size_execute0_lowered;
	s6 =	sadd.s32 s6, s8;
	[dreg:$0x0] =	wrdreg $0x0  }
0xaa: {  	s8 =	sshll.u32 s28, $0x1;
	[dreg:$0x2] =	wrdreg s6  }
0xab: {  	[dreg:$0x3] =	wrdreg s8  }
0xac: {  	[dreg:$0x4] =	wrdreg $0xC0  }
0xad: {  	_ =	task [dreg:s10], $0x5FFFF  }
0xae: {  	[dreg:$0x1] =	wrdreg $0xFFFFFFFF  }
0xaf: {  	[dreg:$0x0] =	wrdreg $0x60  }
0xb0: {  	[dreg:$0x2] =	wrdreg s5  }
0xb1: {  	[dreg:$0x3] =	wrdreg s3  }
0xb2: {  	[dreg:$0x4] =	wrdreg s24  }
0xb3: {  	s2 =	sadd.s32 $0x800, s2;
	[dreg:$0x5] =	wrdreg s4  }
0xb4: {  	[dreg:$0x6] =	wrdreg s2  }
0xb5: {  	[dreg:$0x7] =	wrdreg $0x9  }
0xb6: {  	_ =	task.clear_ibuf [dreg:s10], $0x8FFFF;
	_ =	strace $0x90000046  }
0xb7: {  	s29 =	simm.s32 $0x9;
	_ =	strace $0x80000048  }
0xb8: {  	_ =	swait.ge [sflag:s29], $0x1  }
0xb9: {  	[sflag:s29] =	ssyncadd.s32 $0xFFFFFFFF  }
0xba: {  	_ =	strace $0x90000048  }
0xbb: {  	_ =	sfence  }
0xbc: {  	s30 =	sld [smem:$0x0];
	_ =	sdelay $0x2  }
0xbd: {  	s31 =	sshll.u32 s1, $0xD;
	s1 =	sshrl.u32 s1, $0x2  }
0xbe: {  	s3 =	sand.u32 $0x4000, s31;
	s1 =	sadd.s32 s1, s30  }
0xbf: {  	s0 =	sor.u32 s3, s0;
	s1 =	sshll.u32 s1, $0x11  }
0xc0: {  	s0 =	sor.u32 s1, s0  }
0xc1: {  	s0 =	sadd.s32 $0x8F2B, s0  }
0xc2: {  	[sflag:s0] =	ssyncadd.remote.s32 $0x1  }
0xc3: {  	_ =	sfence.sel $0xFFFF  }
0xc4: {  	[dreg:$0x0] =	wrdreg $0xFFFFFFFF;
	(pc) =	sbr.abs _section_cstart, $3  }
0xc5: {  	[dreg:$0x1] =	wrdreg $0xFFFFFFFF  }
0xc6: {  	_ =	task.clear_ibuf [dreg:s10], $0x2FFFF;
	_ =	strace $0x9FFFFFFF  }
0xc7: {  	(tm) =	ssettm $0x7FFFFFFF  }
tec
execute0_lowered:
.L_overlay_start_1:
0x0: {  	(tag) =	ssettag $0x1  }
0x1: {  	s1 =	rddreg [dreg:$0x0]  }
0x2: {  	s2 =	rddreg [dreg:$0x1]  }
0x3: {  	s0 =	rddreg [dreg:$0x2]  }
0x4: {  	s4 =	rddreg [dreg:$0x3];
	s3 =	srdreg.scid  }
0x5: {  	s5 =	stileid.u32;
	s6 =	simm.s32 $0x0;
	s28 =	simm.s32 $0x18D80  }
0x6: {  	s29 =	simm.s32 $0x19A80;
	s30 =	simm.s32 $0x1A780;
	s31 =	simm.s32 $0x1B480  }
0x7: {  	s3 =	sand.u32 $0x1, s3;
	s8 =	sshrl.u32 s5, $0x2;
	[smem:$0x7FF] =	sst s6  }
0x8: {  	s11 =	sand.u32 $0x3, s5;
	s15 =	sadd.s32 $0xC4000, s0;
	s16 =	sshrl.u32 s5, $0x1  }
0x9: {  	s24 =	sand.u32 $0x1, s5;
	s7 =	sshll.u32 s3, $0x2;
	_ =	strace $0x80000047  }
0xa: {  	s13 =	ssub.s32 $0x2, s3;
	s14 =	smul.u32 $0xC3500, s11;
	[dreg:$0x6] =	wrdreg s15  }
0xb: {  	s3 =	sshll.u32 s3, $0x3;
	p0 =	seq.s32 s24, $0x0;
	p1 =	sne.s32 s11, $0x2  }
0xc: {  	p2 =	sne.s32 s11, $0x0;
	s24 =	simm.s32 $0x19400;
	s11 =	simm.s32 $0x0  }
0xd: {  	s9 =	sor.u32 s8, s7;
	s7 =	sadd.s32 $0x62400, s0;
	s20 =	sshrl.u32 s14, $0x3  }
0xe: {  	s8 =	sadd.s32 $0x800, s0;
	s19 =	sshrl.u32 s13, $0x1;
	s21 =	sadd.s32 s7, s20  }
0xf: {  	s3 =	sor.u32 s16, s3;
	s22 =	sadd.s32 s8, s20;
	[dreg:$0x7] =	wrdreg s21  }
0x10: {  	s10 =	smul.u32 $0x186A0, s9;
	s23 =	sadd.s32 s4, s20;
	[dreg:$0x8] =	wrdreg s22  }
0x11: {  	s16 =	sadd.s32 $0xC80, s14;
	s15 =	sadd.s32 s2, s20;
	[dreg:$0x9] =	wrdreg s23  }
0x12: {  	v0 =	vmov s9;
	s9 =	simm.s32 $0x1D500;
	s12 =	sshrl.u32 s10, $0x3;
	[dreg:$0xa] =	wrdreg s15  }
0x13: {  	s0 =	sadd.s32 s12, s0;
	s12 =	ssub.s32 s13, s19;
	s13 =	smul.u32 $0x186A0, s3  }
0x14: {  	s15 =	sadd.s32 $0x640, s14;
	s22 =	simm.s32 $0x4;
	s3 =	smul.u32 $0x30D4, s3  }
.Ltmp0:
0x15: {  	s23 =	simm.s32 $0x18700;
	s21 =	simm.s32 $0x2;
	(pc) =	sbr.rel .LBB2_1-.Ltmp0, $4  }
0x16: {  	s19 =	simm.s32 $0x3;
	s0 =	sadd.s32 $0xC4200, s0;
	[dreg:$0xb] =	wrdreg s3  }
0x17: {  	s26 =	smax.u32 s12, $0x1;
	s25 =	sadd.s32 $0x186A0, s13;
	[dreg:$0xd] =	wrdreg s0  }
0x18: {  	v2 =	vimm.f32 $0.0e+00;
	[dreg:$0xe] =	wrdreg s26;
	s26 =	simm.s32 $0x1AE00;
	s0 =	simm.s32 $0x1  }
0x19: {  	v3 =	vimm.s32 $0x0;
	v4 =	vlaneseq.u32;
	v1 =	vmov s10;
	s3 =	simm.s32 $0x80;
	[dreg:$0xc] =	wrdreg s25;
	s25 =	simm.s32 $0x1A100  }
.LBB2_40:
0x1a: {  	s5 =	rddreg [dreg:$0xb]  }
0x1b: {  	s5 =	sadd.s32 s5, s10  }
0x1c: {  	[hbm4b:s5+s6] =	stream.linear.scatter [tilespmem:s6], [sflag:$0x4], $0x186A0, $0x38;
	[tilespmem:$0x1FD00] =	vst v63  }
0x1d: {  	_ =	swait.ge [sflag:s22], $0x186A0  }
0x1e: {  	[sflag:s22] =	ssyncset.done $0x0  }
0x1f: {  	[sflag:s22] =	ssyncadd.s32 $0xFFFE7960  }
0x20: {  	[bflag:$0x0] =	sbarrier.arrive $0xFFFF  }
0x21: {  	s11 =	rddreg [dreg:$0xf]  }
.LBB2_47:
0x22: {  	s11 =	sadd.s32 $0x1, s11;
	s5 =	rddreg [dreg:$0xe]  }
0x23: {  	p3 =	sne.s32 s11, s5  }
.Ltmp1:
0x24: {  	_ = 	snop;
	(pc) =	sbr.rel @!p3 .LBB2_48-.Ltmp1, $1  }
0x25: {  	_ =	sdelay $0x3  }
.LBB2_1:
0x26: {  	[dreg:$0xf] =	wrdreg s11  }
0x27: {  	s5 =	rddreg [dreg:$0x6];
	s10 =	simm.s32 $0x1FC80  }
0x28: {  	[tilespmem:s10], [sflag:$0x4] =	stream.linear.gather [hbm4b:s5+s6], $0x80, $0x38;
	[tilespmem:$0x1FD00] =	vst v63  }
0x29: {  	_ =	swait.ge [sflag:s22], $0x80  }
0x2a: {  	[sflag:s22] =	ssyncset.done $0x0  }
0x2b: {  	[sflag:s22] =	ssyncadd.s32 $0xFFFFFF80  }
0x2c: {  	v5 =	vld [tilespmem:$0x1FC80];
	_ =	sdelay $0x4  }
0x2d: {  	s10 =	simm.s32 $0x0;
	v5 =	vperm.xlane v5, v0  }
.LBB2_2:
0x2e: {  	p3 =	sne.s32 s10, $0x61A40  }
.Ltmp2:
0x2f: {  	_ = 	snop;
	(pc) =	sbr.rel @p3 .LBB2_2-.Ltmp2, $3  }
0x30: {  	_ =	sdelay $0x1  }
0x31: {  	s11 =	sshra.s32 s10, $0x2  }
0x32: {  	s10 =	sadd.s32 $0x40, s10;
	[tilespmem:s11+$0x0] =	vst v2  }
0x33: {  	s11 =	simm.s32 $0x40;
	s10 =	simm.s32 $0x0  }
.LBB2_4:
0x34: {  	p3 =	sne.s32 s11, $0x19C0;
	[tilespmem:s10+$0x1BB00] =	vst v3;
	s12 =	smov.u32 s11;
	s11 =	sadd.s32 $0x40, s11  }
.Ltmp3:
0x35: {  	[tilespmem:s10+$0x1C180] =	vst v3;
	(pc) =	sbr.rel @p3 .LBB2_4-.Ltmp3, $2  }
0x36: {  	_ =	sdelay $0x2  }
0x37: {  	s10 =	sshra.s32 s12, $0x2  }
0x38: {  	[tilespmem:s10+$0x1BB00] =	vst v3  }
0x39: {  	[tilespmem:s10+$0x1C180] =	vst v3;
	s11 =	simm.s32 $0x0;
	s5 =	rddreg [dreg:$0x7]  }
0x3a: {  	[tilespmem:s23], [sflag:$0x1] =	stream.linear.gather [hbm4b:s5+s11], $0x640, $0x38;
	[tilespmem:$0x1FD00] =	vst v63  }
0x3b: {  	s17 =	rddreg [dreg:$0x8]  }
0x3c: {  	[tilespmem:s24], [sflag:$0x1] =	stream.linear.gather [hbm4b:s17+s11], $0x640, $0x38;
	[tilespmem:$0x1FD00] =	vst v63  }
.Ltmp4:
0x3d: {  	_ = 	snop;
	(pc) =	sbr.rel .LBB2_6-.Ltmp4, $4  }
0x3e: {  	s18 =	rddreg [dreg:$0x9]  }
0x3f: {  	[tilespmem:s25], [sflag:$0x1] =	stream.linear.gather [hbm4b:s18+s11], $0x640, $0x38;
	[tilespmem:$0x1FD00] =	vst v63  }
0x40: {  	s20 =	rddreg [dreg:$0xa];
	s12 =	simm.s32 $0x0  }
0x41: {  	[tilespmem:s26], [sflag:$0x1] =	stream.linear.gather [hbm4b:s20+s11], $0x640, $0x38;
	[tilespmem:$0x1FD00] =	vst v63  }
.LBB2_32:
0x42: {  	s12 =	sadd.s32 $0x1, s12  }
0x43: {  	p3 =	sne.s32 s12, $0xFA  }
.Ltmp5:
0x44: {  	_ = 	snop;
	(pc) =	sbr.rel @!p3 .LBB2_33-.Ltmp5, $1  }
0x45: {  	_ =	sdelay $0x3  }
.LBB2_6:
0x46: {  	s10 =	smul.u32 $0xC80, s12;
	_ =	sdelay $0x1  }
0x47: {  	s10 =	sadd.s32 s10, s15  }
0x48: {  	s10 =	sshrl.u32 s10, $0x3  }
0x49: {  	s14 =	sadd.s32 s7, s10  }
0x4a: {  	[tilespmem:s28], [sflag:$0x2] =	stream.linear.gather [hbm4b:s14+s11], $0x640, $0x38;
	[tilespmem:$0x1FD00] =	vst v63  }
0x4b: {  	s18 =	sadd.s32 s8, s10  }
0x4c: {  	[tilespmem:s29], [sflag:$0x2] =	stream.linear.gather [hbm4b:s18+s11], $0x640, $0x38;
	[tilespmem:$0x1FD00] =	vst v63  }
0x4d: {  	s20 =	sadd.s32 s4, s10  }
0x4e: {  	[tilespmem:s30], [sflag:$0x2] =	stream.linear.gather [hbm4b:s20+s11], $0x640, $0x38;
	[tilespmem:$0x1FD00] =	vst v63  }
0x4f: {  	s10 =	sadd.s32 s2, s10  }
0x50: {  	[tilespmem:s31], [sflag:$0x2] =	stream.linear.gather [hbm4b:s10+s11], $0x640, $0x38;
	[tilespmem:$0x1FD00] =	vst v63  }
0x51: {  	_ =	swait.ge [sflag:s0], $0x640  }
0x52: {  	[sflag:s0] =	ssyncset.done $0x0  }
0x53: {  	[sflag:s0] =	ssyncadd.s32 $0xFFFFF9C0  }
0x54: {  	_ =	swait.ge [sflag:s0], $0x640  }
0x55: {  	[sflag:s0] =	ssyncset.done $0x0  }
0x56: {  	[sflag:s0] =	ssyncadd.s32 $0xFFFFF9C0  }
0x57: {  	_ =	swait.ge [sflag:s0], $0x640  }
0x58: {  	[sflag:s0] =	ssyncset.done $0x0  }
0x59: {  	[sflag:s0] =	ssyncadd.s32 $0xFFFFF9C0  }
0x5a: {  	_ =	swait.ge [sflag:s0], $0x640  }
0x5b: {  	[sflag:s0] =	ssyncset.done $0x0  }
0x5c: {  	s5 =	simm.s32 $0x0;
	[sflag:s0] =	ssyncadd.s32 $0xFFFFF9C0  }
0x5d: {  	v6 =	vld [tilespmem:s5+$0x1A100];
	_ =	sdelay $0x4  }
0x5e: {  	vm0 =	veq.s32 v6, v5  }
0x5f: {  	v7 =	vmpcnt.ones.xlane vm0;
	_ =	sdelay $0x1  }
0x60: {  	(v2sf) =	vpush v7, $0x0;
	_ =	sdelay $0xe  }
0x61: {  	s14 =	spop (v2sf)  }
0x62: {  	p4 =	slt.s32 s14, $0x1  }
0x63: {  	s18 =	simm.s32 @!p4 $0x0  }
0x64: {  	v7 =	vld @!p4 [tilespmem:s18+$0x18700];
	_ =	sdelay $0x4  }
0x65: {  	vm0 =	veq.s32 @!p4 v6, v5;
	v6 =	vadd.s32 @!p4 v1, v7  }
0x66: {  	[tilespmem:s11+$0x1BB00] =	vst.msk @!p4 vm0, v6  }
0x67: {  	v6 =	vld @!p4 [tilespmem:s18+$0x19400];
	_ =	sdelay $0x4  }
0x68: {  	s17 =	simm.s32 $0x40;
	[tilespmem:s11+$0x1C180] =	vst.msk @!p4 vm0, v6  }
0x69: {  	s20 =	simm.s32 $0x80;
	s14 =	sadd.s32 $0x0, s14;
	v6 =	vld @!p4 [tilespmem:s18+$0x1AE00];
	s18 =	simm.s32 $0x0  }
.LBB2_7:
0x6a: {  	_ =	sdelay $0x3  }
0x6b: {  	s10 =	sshra.s32 s17, $0x2;
	s5 =	smov.u32 s20;
	s20 =	sadd.s32 $0x40, s20;
	[tilespmem:s18+$0x1C800] =	vst.msk @!p4 vm0, v6  }
0x6c: {  	p3 =	sne.s32 s20, $0x1900;
	s18 =	smov.u32 s14;
	v6 =	vld [tilespmem:s10+$0x1A100];
	_ =	sdelay $0x4  }
0x6d: {  	vm0 =	veq.s32 v6, v5  }
0x6e: {  	v7 =	vmpcnt.ones.xlane vm0;
	_ =	sdelay $0x1  }
0x6f: {  	(v2sf) =	vpush v7, $0x0;
	_ =	sdelay $0xe  }
0x70: {  	s10 =	spop (v2sf)  }
0x71: {  	p4 =	slt.s32 s10, $0x1;
	s14 =	sadd.s32 s14, s10  }
0x72: {  	s10 =	sshra.s32 @!p4 s17, $0x2;
	s17 =	smov.u32 s5  }
0x73: {  	v7 =	vld @!p4 [tilespmem:s10+$0x18700];
	_ =	sdelay $0x4  }
0x74: {  	vm0 =	veq.s32 @!p4 v6, v5;
	v6 =	vadd.s32 @!p4 v1, v7  }
0x75: {  	[tilespmem:s18+$0x1BB00] =	vst.msk @!p4 vm0, v6  }
0x76: {  	v6 =	vld @!p4 [tilespmem:s10+$0x19400];
	_ =	sdelay $0x1  }
.Ltmp6:
0x77: {  	(pc) =	sbr.rel @p3 .LBB2_7-.Ltmp6, $3  }
0x78: {  	_ =	sdelay $0x1  }
0x79: {  	[tilespmem:s18+$0x1C180] =	vst.msk @!p4 vm0, v6  }
0x7a: {  	v6 =	vld @!p4 [tilespmem:s10+$0x1AE00]  }
0x7b: {  	_ =	sdelay $0x3  }
0x7c: {  	s5 =	sshra.s32 s17, $0x2;
	[tilespmem:s18+$0x1C800] =	vst.msk @!p4 vm0, v6  }
0x7d: {  	v6 =	vld [tilespmem:s5+$0x1A100];
	_ =	sdelay $0x4  }
0x7e: {  	vm15 =	veq.s32 v6, v5  }
0x7f: {  	v7 =	vmpcnt.ones.xlane vm15;
	_ =	sdelay $0x1  }
0x80: {  	(v2sf) =	vpush v7, $0x0;
	_ =	sdelay $0xe  }
0x81: {  	s18 =	spop (v2sf)  }
0x82: {  	p3 =	slt.s32 s18, $0x1  }
0x83: {  	s10 =	sshra.s32 @!p3 s17, $0x2  }
0x84: {  	v7 =	vld @!p3 [tilespmem:s10+$0x18700];
	_ =	sdelay $0x4  }
0x85: {  	vm0 =	veq.s32 @!p3 v6, v5;
	v6 =	vadd.s32 @!p3 v1, v7  }
0x86: {  	[tilespmem:s14+$0x1BB00] =	vst.msk @!p3 vm0, v6  }
0x87: {  	v6 =	vld @!p3 [tilespmem:s10+$0x19400]  }
0x88: {  	s17 =	sadd.s32 s14, s18  }
0x89: {  	s5 =	sadd.s32 $0x7F, s17  }
0x8a: {  	s20 =	sand.u32 $0x7F, s5  }
0x8b: {  	p5 =	slt.s32 s5, $0x1;
	p6 =	sne.s32 s20, $0x0;
	s20 =	sshra.s32 s5, $0x1F  }
0x8c: {  	p4 =	por !p5, !p6;
	s20 =	sshrl.u32 s20, $0x19;
	[tilespmem:s14+$0x1C180] =	vst.msk @!p3 vm0, v6  }
0x8d: {  	s5 =	sadd.s32 s20, s5;
	p4 =	por !p4, !p4;
	v6 =	vld @!p3 [tilespmem:s10+$0x1AE00];
	s10 =	simm.s32 $0x1  }
0x8e: {  	s5 =	sshra.s32 s5, $0x7;
	s10 =	simm.s32 @!p4 $0x0  }
0x8f: {  	s18 =	ssub.s32 s5, s10  }
0x90: {  	p4 =	slt.s32 s18, $0x1  }
.Ltmp7:
0x91: {  	_ = 	snop;
	(pc) =	sbr.rel @p4 .LBB2_14-.Ltmp7, $2  }
0x92: {  	_ =	sdelay $0x2  }
0x93: {  	[tilespmem:s14+$0x1C800] =	vst.msk @!p3 vm0, v6  }
0x94: {  	p3 =	sne.s32 s18, $0x1  }
.Ltmp8:
0x95: {  	_ = 	snop;
	(pc) =	sbr.rel @!p3 .LBB2_11-.Ltmp8, $3  }
0x96: {  	_ =	sdelay $0x1  }
0x97: {  	s14 =	simm.s32 $0x1CE80;
	s20 =	simm.s32 $0x1BB00;
	s10 =	sadd.s32 $0xFFFFFFFF, s18  }
0x98: {  	[tilespmem:s14], [sflag:$0x3] =	stream.indirect.gather [hbm4b:s1+s3], $0x1, s20, s3, $0xb8;
	[tilespmem:$0x1FD00] =	vst v63  }
.LBB2_10:
0x99: {  	p4 =	sne.s32 s10, $0x1  }
.Ltmp9:
0x9a: {  	_ = 	snop;
	(pc) =	sbr.rel @p4 .LBB2_10-.Ltmp9, $4  }
0x9b: {  	_ = 	snop  }
0x9c: {  	s14 =	sadd.s32 $0x80, s14;
	s20 =	sadd.s32 $0x80, s20  }
0x9d: {  	s10 =	sadd.s32 $0xFFFFFFFF, s10  }
0x9e: {  	[tilespmem:s14], [sflag:$0x3] =	stream.indirect.gather [hbm4b:s1+s3], $0x1, s20, s3, $0xb8;
	[tilespmem:$0x1FD00] =	vst v63  }
.LBB2_11:
.Ltmp10:
0x9f: {  	(pc) =	sbr.rel @!p3 .LBB2_13-.Ltmp10, $3  }
0xa0: {  	_ =	sdelay $0x1  }
0xa1: {  	_ =	swait.ge [sflag:s19], $0x80  }
0xa2: {  	s14 =	sadd.s32 $0xFFFFFFFF, s18;
	[sflag:s19] =	ssyncset.done $0x0  }
.LBB2_12:
0xa3: {  	p3 =	sne.s32 s14, $0x1;
	s14 =	sadd.s32 $0xFFFFFFFF, s14;
	[sflag:s19] =	ssyncadd.s32 $0xFFFFFF80  }
.Ltmp11:
0xa4: {  	(pc) =	sbr.rel @p3 .LBB2_12-.Ltmp11, $3  }
0xa5: {  	_ =	sdelay $0x1  }
0xa6: {  	_ =	swait.ge [sflag:s19], $0x80  }
0xa7: {  	[sflag:s19] =	ssyncset.done $0x0  }
.LBB2_13:
0xa8: {  	[sflag:s19] =	ssyncadd.s32 $0xFFFFFF80  }
.LBB2_14:
0xa9: {  	s5 =	sadd.s32 $0xF, s17  }
0xaa: {  	s10 =	sand.u32 $0xF, s5  }
0xab: {  	s14 =	sshra.s32 s5, $0x1F;
	p3 =	slt.s32 s5, $0x1;
	p4 =	sne.s32 s10, $0x0  }
0xac: {  	s20 =	sshrl.u32 s14, $0x1C;
	p3 =	por !p3, !p4  }
0xad: {  	s10 =	simm.s32 $0x1;
	s5 =	sadd.s32 s20, s5;
	p3 =	por !p3, !p3  }
0xae: {  	s5 =	sshra.s32 s5, $0x4;
	s10 =	simm.s32 @!p3 $0x0  }
0xaf: {  	s14 =	ssub.s32 s5, s10  }
0xb0: {  	p3 =	slt.s32 s14, $0x1  }
.Ltmp12:
0xb1: {  	_ = 	snop;
	(pc) =	sbr.rel @p3 .LBB2_19-.Ltmp12, $1  }
0xb2: {  	_ =	sdelay $0x3  }
.Ltmp13:
0xb3: {  	(pc) =	sbr.rel .LBB2_16-.Ltmp13, $2  }
0xb4: {  	_ =	sdelay $0x2  }
0xb5: {  	v6 =	vmov s17;
	s17 =	simm.s32 $0x0  }
.LBB2_18:
0xb6: {  	s17 =	sadd.s32 $0x1, s17  }
0xb7: {  	p3 =	sne.s32 s17, s14  }
.Ltmp14:
0xb8: {  	_ = 	snop;
	(pc) =	sbr.rel @!p3 .LBB2_19-.Ltmp14, $1  }
0xb9: {  	_ =	sdelay $0x3  }
.LBB2_16:
0xba: {  	s5 =	sshll.u32 s17, $0x4  }
0xbb: {  	v7 =	vld [tilespmem:s5+$0x1C180];
	_ =	sdelay $0x3  }
0xbc: {  	v8 =	vld [tilespmem:s5+$0x1C800]  }
0xbd: {  	v9 =	vld [tilespmem:s5+$0x1CE80];
	_ =	sdelay $0x2  }
0xbe: {  	v10 =	vld.idx.msk [tilespmem:v7+s6+$0x0], $0xffff;
	_ =	sdelay $0x1  }
0xbf: {  	v11 =	vor.u32 s5, v4;
	v8 =	vmul.f32 v9, v8  }
0xc0: {  	vm0 =	vlt.s32 v11, v6  }
0xc1: {  	v8 =	vnsel vm0, $0xBF800000, v8  }
0xc2: {  	vm0 =	vgt.f32 v8, v10  }
0xc3: {  	v9 =	vmpcnt.ones.xlane vm0;
	_ =	sdelay $0x1  }
0xc4: {  	(v2sf) =	vpush v9, $0x0;
	_ =	sdelay $0xe  }
0xc5: {  	s20 =	spop (v2sf)  }
0xc6: {  	p3 =	slt.s32 s20, $0x1  }
.Ltmp15:
0xc7: {  	_ = 	snop;
	(pc) =	sbr.rel @p3 .LBB2_18-.Ltmp15, $1  }
0xc8: {  	_ =	sdelay $0x3  }
.LBB2_17:
0xc9: {  	[tilespmem:v7+s6+$0x0] =	vst.idx.msk vm0, v8  }
0xca: {  	v9 =	vld.idx.msk [tilespmem:v7+s6+$0x0], $0xffff;
	_ =	sdelay $0x4  }
0xcb: {  	vm0 =	vgt.f32 v8, v9  }
0xcc: {  	v9 =	vmpcnt.ones.xlane vm0;
	_ =	sdelay $0x1  }
0xcd: {  	(v2sf) =	vpush v9, $0x0;
	_ =	sdelay $0xe  }
0xce: {  	s5 =	spop (v2sf)  }
0xcf: {  	p3 =	sgt.s32 s5, $0x0  }
.Ltmp16:
0xd0: {  	_ = 	snop;
	(pc) =	sbr.rel @p3 .LBB2_17-.Ltmp16, $1  }
0xd1: {  	_ =	sdelay $0x3  }
.Ltmp17:
0xd2: {  	_ = 	snop;
	(pc) =	sbr.rel .LBB2_18-.Ltmp17, $1  }
0xd3: {  	_ =	sdelay $0x3  }
.LBB2_19:
0xd4: {  	s5 =	sshll.u32 s12, $0x1  }
0xd5: {  	s5 =	smin.u32 s5, $0x1F1  }
0xd6: {  	s5 =	smul.u32 $0x640, s5;
	_ =	sdelay $0x1  }
0xd7: {  	s5 =	sadd.s32 s5, s16  }
0xd8: {  	s5 =	sshrl.u32 s5, $0x3  }
0xd9: {  	s14 =	simm.s32 $0x0;
	s10 =	sadd.s32 s7, s5  }
0xda: {  	[tilespmem:s23], [sflag:$0x1] =	stream.linear.gather [hbm4b:s10+s14], $0x640, $0x38;
	[tilespmem:$0x1FD00] =	vst v63  }
0xdb: {  	s18 =	sadd.s32 s8, s5  }
0xdc: {  	[tilespmem:s24], [sflag:$0x1] =	stream.linear.gather [hbm4b:s18+s14], $0x640, $0x38;
	[tilespmem:$0x1FD00] =	vst v63  }
0xdd: {  	s20 =	sadd.s32 s4, s5  }
0xde: {  	[tilespmem:s25], [sflag:$0x1] =	stream.linear.gather [hbm4b:s20+s14], $0x640, $0x38;
	[tilespmem:$0x1FD00] =	vst v63  }
0xdf: {  	s5 =	sadd.s32 s2, s5  }
0xe0: {  	[tilespmem:s26], [sflag:$0x1] =	stream.linear.gather [hbm4b:s5+s14], $0x640, $0x38;
	[tilespmem:$0x1FD00] =	vst v63  }
0xe1: {  	_ =	swait.ge [sflag:s21], $0x640  }
0xe2: {  	[sflag:s21] =	ssyncset.done $0x0  }
0xe3: {  	[sflag:s21] =	ssyncadd.s32 $0xFFFFF9C0  }
0xe4: {  	_ =	swait.ge [sflag:s21], $0x640  }
0xe5: {  	[sflag:s21] =	ssyncset.done $0x0  }
0xe6: {  	[sflag:s21] =	ssyncadd.s32 $0xFFFFF9C0  }
0xe7: {  	_ =	swait.ge [sflag:s21], $0x640  }
0xe8: {  	[sflag:s21] =	ssyncset.done $0x0  }
0xe9: {  	[sflag:s21] =	ssyncadd.s32 $0xFFFFF9C0  }
0xea: {  	_ =	swait.ge [sflag:s21], $0x640  }
0xeb: {  	[sflag:s21] =	ssyncset.done $0x0  }
0xec: {  	s10 =	simm.s32 $0x0;
	[sflag:s21] =	ssyncadd.s32 $0xFFFFF9C0  }
0xed: {  	v6 =	vld [tilespmem:s10+$0x1A780];
	_ =	sdelay $0x4  }
0xee: {  	vm0 =	veq.s32 v6, v5  }
0xef: {  	v7 =	vmpcnt.ones.xlane vm0;
	_ =	sdelay $0x1  }
0xf0: {  	(v2sf) =	vpush v7, $0x0;
	_ =	sdelay $0xe  }
0xf1: {  	s17 =	spop (v2sf)  }
0xf2: {  	p4 =	slt.s32 s17, $0x1  }
0xf3: {  	s10 =	simm.s32 @!p4 $0x0  }
0xf4: {  	v7 =	vld @!p4 [tilespmem:s10+$0x18D80];
	_ =	sdelay $0x4  }
0xf5: {  	vm0 =	veq.s32 @!p4 v6, v5;
	v6 =	vadd.s32 @!p4 v1, v7  }
0xf6: {  	[tilespmem:s14+$0x1BB00] =	vst.msk @!p4 vm0, v6  }
0xf7: {  	v6 =	vld @!p4 [tilespmem:s10+$0x19A80];
	_ =	sdelay $0x4  }
0xf8: {  	[tilespmem:s14+$0x1C180] =	vst.msk @!p4 vm0, v6  }
0xf9: {  	s18 =	simm.s32 $0x80;
	s20 =	simm.s32 $0x40;
	s17 =	sadd.s32 $0x0, s17;
	v6 =	vld @!p4 [tilespmem:s10+$0x1B480]  }
.LBB2_20:
0xfa: {  	_ =	sdelay $0x3  }
0xfb: {  	s5 =	sshra.s32 s20, $0x2;
	s10 =	smov.u32 s18;
	s18 =	sadd.s32 $0x40, s18;
	[tilespmem:s14+$0x1C800] =	vst.msk @!p4 vm0, v6  }
0xfc: {  	p3 =	sne.s32 s18, $0x1900;
	s14 =	smov.u32 s17;
	v6 =	vld [tilespmem:s5+$0x1A780];
	_ =	sdelay $0x4  }
0xfd: {  	vm0 =	veq.s32 v6, v5  }
0xfe: {  	v7 =	vmpcnt.ones.xlane vm0;
	_ =	sdelay $0x1  }
0xff: {  	(v2sf) =	vpush v7, $0x0;
	_ =	sdelay $0xe  }
0x100: {  	s5 =	spop (v2sf)  }
0x101: {  	p4 =	slt.s32 s5, $0x1;
	s17 =	sadd.s32 s17, s5  }
0x102: {  	s5 =	sshra.s32 @!p4 s20, $0x2;
	s20 =	smov.u32 s10  }
0x103: {  	v7 =	vld @!p4 [tilespmem:s5+$0x18D80];
	_ =	sdelay $0x4  }
0x104: {  	vm0 =	veq.s32 @!p4 v6, v5;
	v6 =	vadd.s32 @!p4 v1, v7  }
0x105: {  	[tilespmem:s14+$0x1BB00] =	vst.msk @!p4 vm0, v6  }
0x106: {  	v6 =	vld @!p4 [tilespmem:s5+$0x19A80];
	_ =	sdelay $0x1  }
.Ltmp18:
0x107: {  	(pc) =	sbr.rel @p3 .LBB2_20-.Ltmp18, $3  }
0x108: {  	_ =	sdelay $0x1  }
0x109: {  	[tilespmem:s14+$0x1C180] =	vst.msk @!p4 vm0, v6  }
0x10a: {  	v6 =	vld @!p4 [tilespmem:s5+$0x1B480]  }
0x10b: {  	_ =	sdelay $0x3  }
0x10c: {  	s5 =	sshra.s32 s20, $0x2;
	[tilespmem:s14+$0x1C800] =	vst.msk @!p4 vm0, v6  }
0x10d: {  	v6 =	vld [tilespmem:s5+$0x1A780];
	_ =	sdelay $0x4  }
0x10e: {  	vm15 =	veq.s32 v6, v5  }
0x10f: {  	v7 =	vmpcnt.ones.xlane vm15;
	_ =	sdelay $0x1  }
0x110: {  	(v2sf) =	vpush v7, $0x0;
	_ =	sdelay $0xe  }
0x111: {  	s18 =	spop (v2sf)  }
0x112: {  	p3 =	slt.s32 s18, $0x1  }
0x113: {  	s10 =	sshra.s32 @!p3 s20, $0x2  }
0x114: {  	v7 =	vld @!p3 [tilespmem:s10+$0x18D80];
	_ =	sdelay $0x4  }
0x115: {  	vm0 =	veq.s32 @!p3 v6, v5;
	v6 =	vadd.s32 @!p3 v1, v7  }
0x116: {  	[tilespmem:s17+$0x1BB00] =	vst.msk @!p3 vm0, v6  }
0x117: {  	v6 =	vld @!p3 [tilespmem:s10+$0x19A80]  }
0x118: {  	s14 =	sadd.s32 s17, s18  }
0x119: {  	s5 =	sadd.s32 $0x7F, s14  }
0x11a: {  	s18 =	sand.u32 $0x7F, s5  }
0x11b: {  	s20 =	sshra.s32 s5, $0x1F;
	p5 =	slt.s32 s5, $0x1;
	p6 =	sne.s32 s18, $0x0  }
0x11c: {  	s20 =	sshrl.u32 s20, $0x19;
	p4 =	por !p5, !p6;
	[tilespmem:s17+$0x1C180] =	vst.msk @!p3 vm0, v6  }
0x11d: {  	s5 =	sadd.s32 s20, s5;
	p4 =	por !p4, !p4;
	v6 =	vld @!p3 [tilespmem:s10+$0x1B480];
	s10 =	simm.s32 $0x1  }
0x11e: {  	s5 =	sshra.s32 s5, $0x7;
	s10 =	simm.s32 @!p4 $0x0  }
0x11f: {  	s18 =	ssub.s32 s5, s10  }
0x120: {  	p4 =	slt.s32 s18, $0x1  }
.Ltmp19:
0x121: {  	_ = 	snop;
	(pc) =	sbr.rel @p4 .LBB2_27-.Ltmp19, $2  }
0x122: {  	_ =	sdelay $0x2  }
0x123: {  	[tilespmem:s17+$0x1C800] =	vst.msk @!p3 vm0, v6  }
0x124: {  	p3 =	sne.s32 s18, $0x1  }
.Ltmp20:
0x125: {  	_ = 	snop;
	(pc) =	sbr.rel @!p3 .LBB2_24-.Ltmp20, $3  }
0x126: {  	_ =	sdelay $0x1  }
0x127: {  	s17 =	simm.s32 $0x1CE80;
	s20 =	simm.s32 $0x1BB00;
	s10 =	sadd.s32 $0xFFFFFFFF, s18  }
0x128: {  	[tilespmem:s17], [sflag:$0x3] =	stream.indirect.gather [hbm4b:s1+s3], $0x1, s20, s3, $0xb8;
	[tilespmem:$0x1FD00] =	vst v63  }
.LBB2_23:
0x129: {  	p4 =	sne.s32 s10, $0x1  }
.Ltmp21:
0x12a: {  	_ = 	snop;
	(pc) =	sbr.rel @p4 .LBB2_23-.Ltmp21, $4  }
0x12b: {  	_ = 	snop  }
0x12c: {  	s17 =	sadd.s32 $0x80, s17;
	s20 =	sadd.s32 $0x80, s20  }
0x12d: {  	s10 =	sadd.s32 $0xFFFFFFFF, s10  }
0x12e: {  	[tilespmem:s17], [sflag:$0x3] =	stream.indirect.gather [hbm4b:s1+s3], $0x1, s20, s3, $0xb8;
	[tilespmem:$0x1FD00] =	vst v63  }
.LBB2_24:
.Ltmp22:
0x12f: {  	(pc) =	sbr.rel @!p3 .LBB2_26-.Ltmp22, $3  }
0x130: {  	_ =	sdelay $0x1  }
0x131: {  	_ =	swait.ge [sflag:s19], $0x80  }
0x132: {  	s17 =	sadd.s32 $0xFFFFFFFF, s18;
	[sflag:s19] =	ssyncset.done $0x0  }
.LBB2_25:
0x133: {  	p3 =	sne.s32 s17, $0x1;
	s17 =	sadd.s32 $0xFFFFFFFF, s17;
	[sflag:s19] =	ssyncadd.s32 $0xFFFFFF80  }
.Ltmp23:
0x134: {  	(pc) =	sbr.rel @p3 .LBB2_25-.Ltmp23, $3  }
0x135: {  	_ =	sdelay $0x1  }
0x136: {  	_ =	swait.ge [sflag:s19], $0x80  }
0x137: {  	[sflag:s19] =	ssyncset.done $0x0  }
.LBB2_26:
0x138: {  	[sflag:s19] =	ssyncadd.s32 $0xFFFFFF80  }
.LBB2_27:
0x139: {  	s5 =	sadd.s32 $0xF, s14  }
0x13a: {  	s10 =	sand.u32 $0xF, s5  }
0x13b: {  	s17 =	sshra.s32 s5, $0x1F;
	p3 =	slt.s32 s5, $0x1;
	p4 =	sne.s32 s10, $0x0  }
0x13c: {  	s20 =	sshrl.u32 s17, $0x1C;
	p3 =	por !p3, !p4  }
0x13d: {  	s10 =	simm.s32 $0x1;
	s5 =	sadd.s32 s20, s5;
	p3 =	por !p3, !p3  }
0x13e: {  	s5 =	sshra.s32 s5, $0x4;
	s10 =	simm.s32 @!p3 $0x0  }
0x13f: {  	s17 =	ssub.s32 s5, s10  }
0x140: {  	p3 =	slt.s32 s17, $0x1  }
.Ltmp24:
0x141: {  	_ = 	snop;
	(pc) =	sbr.rel @p3 .LBB2_32-.Ltmp24, $1  }
0x142: {  	_ =	sdelay $0x3  }
.Ltmp25:
0x143: {  	(pc) =	sbr.rel .LBB2_29-.Ltmp25, $2  }
0x144: {  	_ =	sdelay $0x2  }
0x145: {  	v6 =	vmov s14;
	s14 =	simm.s32 $0x0  }
.LBB2_31:
0x146: {  	s14 =	sadd.s32 $0x1, s14  }
0x147: {  	p3 =	sne.s32 s14, s17  }
.Ltmp26:
0x148: {  	_ = 	snop;
	(pc) =	sbr.rel @!p3 .LBB2_32-.Ltmp26, $1  }
0x149: {  	_ =	sdelay $0x3  }
.LBB2_29:
0x14a: {  	s5 =	sshll.u32 s14, $0x4  }
0x14b: {  	v7 =	vld [tilespmem:s5+$0x1C180];
	_ =	sdelay $0x3  }
0x14c: {  	v8 =	vld [tilespmem:s5+$0x1C800]  }
0x14d: {  	v9 =	vld [tilespmem:s5+$0x1CE80];
	_ =	sdelay $0x2  }
0x14e: {  	v10 =	vld.idx.msk [tilespmem:v7+s6+$0x0], $0xffff;
	_ =	sdelay $0x1  }
0x14f: {  	v11 =	vor.u32 s5, v4;
	v8 =	vmul.f32 v9, v8  }
0x150: {  	vm0 =	vlt.s32 v11, v6  }
0x151: {  	v8 =	vnsel vm0, $0xBF800000, v8  }
0x152: {  	vm0 =	vgt.f32 v8, v10  }
0x153: {  	v9 =	vmpcnt.ones.xlane vm0;
	_ =	sdelay $0x1  }
0x154: {  	(v2sf) =	vpush v9, $0x0;
	_ =	sdelay $0xe  }
0x155: {  	s20 =	spop (v2sf)  }
0x156: {  	p3 =	slt.s32 s20, $0x1  }
.Ltmp27:
0x157: {  	_ = 	snop;
	(pc) =	sbr.rel @p3 .LBB2_31-.Ltmp27, $1  }
0x158: {  	_ =	sdelay $0x3  }
.LBB2_30:
0x159: {  	[tilespmem:v7+s6+$0x0] =	vst.idx.msk vm0, v8  }
0x15a: {  	v9 =	vld.idx.msk [tilespmem:v7+s6+$0x0], $0xffff;
	_ =	sdelay $0x4  }
0x15b: {  	vm0 =	vgt.f32 v8, v9  }
0x15c: {  	v9 =	vmpcnt.ones.xlane vm0;
	_ =	sdelay $0x1  }
0x15d: {  	(v2sf) =	vpush v9, $0x0;
	_ =	sdelay $0xe  }
0x15e: {  	s5 =	spop (v2sf)  }
0x15f: {  	p3 =	sgt.s32 s5, $0x0  }
.Ltmp28:
0x160: {  	_ = 	snop;
	(pc) =	sbr.rel @p3 .LBB2_30-.Ltmp28, $1  }
0x161: {  	_ =	sdelay $0x3  }
.Ltmp29:
0x162: {  	_ = 	snop;
	(pc) =	sbr.rel .LBB2_31-.Ltmp29, $1  }
0x163: {  	_ =	sdelay $0x3  }
.LBB2_33:
0x164: {  	_ =	swait.ge [sflag:s0], $0x640  }
0x165: {  	[sflag:s0] =	ssyncset.done $0x0  }
0x166: {  	[sflag:s0] =	ssyncadd.s32 $0xFFFFF9C0  }
0x167: {  	_ =	swait.ge [sflag:s0], $0x640  }
0x168: {  	[sflag:s0] =	ssyncset.done $0x0  }
0x169: {  	[sflag:s0] =	ssyncadd.s32 $0xFFFFF9C0  }
0x16a: {  	_ =	swait.ge [sflag:s0], $0x640  }
0x16b: {  	[sflag:s0] =	ssyncset.done $0x0  }
.Ltmp30:
0x16c: {  	[sflag:s0] =	ssyncadd.s32 $0xFFFFF9C0;
	(pc) =	sbr.rel @!p0 .LBB2_34-.Ltmp30, $4  }
0x16d: {  	_ =	swait.ge [sflag:s0], $0x640  }
0x16e: {  	[sflag:s0] =	ssyncset.done $0x0  }
0x16f: {  	[sflag:s0] =	ssyncadd.s32 $0xFFFFF9C0  }
0x170: {  	s10 =	rddreg [dreg:$0x4]  }
0x171: {  	[bflag:$0x0] =	sbarrier.arrive $0xFFFF  }
0x172: {  	s11 =	simm.s32 $0x0;
	s12 =	simm.s32 $0x0;
	s14 =	simm.s32 $0x0  }
.LBB2_36:
0x173: {  	s5 =	smul.u32 $0x2710, s14;
	_ =	sdelay $0x1  }
0x174: {  	s5 =	sadd.s32 s13, s5  }
0x175: {  	s5 =	sshrl.u32 s5, $0x3  }
0x176: {  	v5 =	vmov s12;
	s5 =	sadd.s32 s5, s10  }
0x177: {  	[tilespmem:s9], [sflag:$0x4] =	stream.linear.gather [hbm4b:s5+s11], $0x2710, $0x38;
	[tilespmem:$0x1FD00] =	vst v63  }
0x178: {  	_ =	swait.ge [sflag:s22], $0x2710  }
0x179: {  	[sflag:s22] =	ssyncset.done $0x0  }
0x17a: {  	s17 =	simm.s32 $0x0;
	s18 =	simm.s32 $0x40;
	[sflag:s22] =	ssyncadd.s32 $0xFFFFD8F0  }
.LBB2_37:
0x17b: {  	p3 =	sne.s32 s18, $0x9C00;
	v6 =	vld.idx.msk [tilespmem:v5+s17+$0x0 ss:$0x1], $0xffff  }
0x17c: {  	v7 =	vld [tilespmem:s17+$0x1D500];
	_ =	sdelay $0x1  }
.Ltmp31:
0x17d: {  	(pc) =	sbr.rel @p3 .LBB2_37-.Ltmp31, $3  }
0x17e: {  	_ =	sdelay $0x1  }
0x17f: {  	v6 =	vmax.f32 v6, v7  }
0x180: {  	[tilespmem:v5+s17+$0x0 ss:$0x1] =	vst.idx.msk $0xffff, v6;
	s17 =	sshra.s32 s18, $0x2;
	s18 =	sadd.s32 $0x40, s18  }
0x181: {  	_ =	sdelay $0x3  }
0x182: {  	v6 =	vld.idx.msk [tilespmem:v5+s17+$0x0 ss:$0x1], $0xffff  }
0x183: {  	v7 =	vld [tilespmem:s17+$0x1D500];
	s14 =	sadd.s32 $0x1, s14  }
0x184: {  	p3 =	sne.s32 s14, $0xA  }
.Ltmp32:
0x185: {  	_ = 	snop;
	(pc) =	sbr.rel @p3 .LBB2_36-.Ltmp32, $4  }
.Ltmp33:
0x186: {  	_ = 	snop;
	(pc) =	sbr.rel @!p3 .LBB2_39-.Ltmp33, $4  }
0x187: {  	_ = 	snop  }
0x188: {  	v6 =	vmax.f32 v6, v7  }
0x189: {  	s12 =	sadd.s32 $0x2710, s12;
	[tilespmem:v5+s17+$0x0 ss:$0x1] =	vst.idx.msk $0xffff, v6  }
0x18a: {  	_ = 	snop  }
.LBB2_34:
0x18b: {  	s5 =	rddreg [dreg:$0xb]  }
0x18c: {  	s5 =	sadd.s32 s5, s10  }
0x18d: {  	[hbm4b:s5+s6] =	stream.linear.scatter [tilespmem:s6], [sflag:$0x4], $0x186A0, $0x38;
	[tilespmem:$0x1FD00] =	vst v63  }
0x18e: {  	_ =	swait.ge [sflag:s22], $0x186A0  }
0x18f: {  	[sflag:s22] =	ssyncset.done $0x0  }
0x190: {  	[sflag:s22] =	ssyncadd.s32 $0xFFFE7960  }
0x191: {  	[bflag:$0x0] =	sbarrier.arrive $0xFFFF  }
.LBB2_39:
.Ltmp34:
0x192: {  	(pc) =	sbr.rel @!p1 .LBB2_40-.Ltmp34, $2  }
0x193: {  	_ =	sdelay $0x1  }
0x194: {  	[bflag:$0x0] =	sbarrier.arrive $0xFFFF;
	_ =	sdelay $0x1  }
.Ltmp35:
0x195: {  	(pc) =	sbr.rel @p2 .LBB2_47-.Ltmp35, $3  }
0x196: {  	_ =	sdelay $0x1  }
0x197: {  	[bflag:$0x0] =	sbarrier.arrive $0xFFFF  }
0x198: {  	s11 =	rddreg [dreg:$0xf]  }
0x199: {  	s11 =	simm.s32 $0x0;
	s12 =	simm.s32 $0x0;
	s14 =	simm.s32 $0x0  }
.LBB2_43:
0x19a: {  	s5 =	smul.u32 $0x2710, s14  }
0x19b: {  	s17 =	rddreg [dreg:$0xc]  }
0x19c: {  	s5 =	sadd.s32 s5, s17  }
0x19d: {  	s5 =	sshrl.u32 s5, $0x3  }
0x19e: {  	v5 =	vmov s12;
	s5 =	sadd.s32 s5, s10  }
0x19f: {  	[tilespmem:s9], [sflag:$0x4] =	stream.linear.gather [hbm4b:s5+s11], $0x2710, $0x38;
	[tilespmem:$0x1FD00] =	vst v63  }
0x1a0: {  	_ =	swait.ge [sflag:s22], $0x2710  }
0x1a1: {  	[sflag:s22] =	ssyncset.done $0x0  }
0x1a2: {  	s18 =	simm.s32 $0x40;
	s17 =	simm.s32 $0x0;
	[sflag:s22] =	ssyncadd.s32 $0xFFFFD8F0  }
.LBB2_44:
0x1a3: {  	p3 =	sne.s32 s18, $0x9C00;
	v6 =	vld.idx.msk [tilespmem:v5+s17+$0x0 ss:$0x1], $0xffff  }
0x1a4: {  	v7 =	vld [tilespmem:s17+$0x1D500];
	_ =	sdelay $0x1  }
.Ltmp36:
0x1a5: {  	(pc) =	sbr.rel @p3 .LBB2_44-.Ltmp36, $3  }
0x1a6: {  	_ =	sdelay $0x1  }
0x1a7: {  	v6 =	vmax.f32 v6, v7  }
0x1a8: {  	[tilespmem:v5+s17+$0x0 ss:$0x1] =	vst.idx.msk $0xffff, v6;
	s17 =	sshra.s32 s18, $0x2;
	s18 =	sadd.s32 $0x40, s18  }
0x1a9: {  	_ =	sdelay $0x3  }
0x1aa: {  	v6 =	vld.idx.msk [tilespmem:v5+s17+$0x0 ss:$0x1], $0xffff  }
0x1ab: {  	v7 =	vld [tilespmem:s17+$0x1D500];
	s14 =	sadd.s32 $0x1, s14  }
0x1ac: {  	p3 =	sne.s32 s14, $0xA  }
.Ltmp37:
0x1ad: {  	_ = 	snop;
	(pc) =	sbr.rel @p3 .LBB2_43-.Ltmp37, $3  }
0x1ae: {  	_ =	sdelay $0x1  }
0x1af: {  	v6 =	vmax.f32 v6, v7  }
0x1b0: {  	s12 =	sadd.s32 $0x2710, s12;
	[tilespmem:v5+s17+$0x0 ss:$0x1] =	vst.idx.msk $0xffff, v6  }
.Ltmp38:
0x1b1: {  	s5 =	rddreg [dreg:$0xd];
	(pc) =	sbr.rel .LBB2_47-.Ltmp38, $4  }
0x1b2: {  	[hbm4b:s5+s6] =	stream.linear.scatter [tilespmem:s6], [sflag:$0x4], $0x186A0, $0x38;
	[tilespmem:$0x1FD00] =	vst v63  }
0x1b3: {  	_ =	swait.ge [sflag:s22], $0x186A0  }
0x1b4: {  	[sflag:s22] =	ssyncset.done $0x0  }
0x1b5: {  	s11 =	rddreg [dreg:$0xf];
	[sflag:s22] =	ssyncadd.s32 $0xFFFE7960  }
.LBB2_48:
0x1b6: {  	_ =	sfence.sel $0x180000  }
0x1b7: {  	[bflag:$0x0] =	sbarrier.arrive $0xFFFF  }
0x1b8: {  	_ =	strace $0x90000047  }
0x1b9: {  	s0 =	stileid.u32;
	[bflag:$0x2] =	sbarrier.arrive $0xFFFF  }
0x1ba: {  	p0 =	sne.s32 s0, $0x0;
	s0 =	rddreg [dreg:$0x5]  }
0x1bb: {  	s0 =	sadd.s32 @!p0 $0x100000, s0  }
0x1bc: {  	[sflag:s0] =	ssyncadd.tile.s32 @!p0 $0x1;
	_ =	shalt  }
.Lfunc_end2:
_tile_overlayer_lowered:
.L_overlay_start_2:
0x1bd: {  	(tag) =	ssettag $0x2  }
0x1be: {  	s0 =	rddreg [dreg:$0x0];
	s2 =	stileid.u32  }
0x1bf: {  	s1 =	rddreg [dreg:$0x1];
	p0 =	sne.s32 s2, $0x0  }
0x1c0: {  	s3 =	rddreg [dreg:$0x2];
	[bflag:$0x3] =	sbarrier.arrive $0xFFFF;
	s2 =	simm.s32 @!p0 $0x1C04  }
0x1c1: {  	[timem:s3], [sflag:s2] =	dma.local @!p0 [hbm:s0], s1  }
0x1c2: {  	s0 =	simm.s32 @!p0 $0x4  }
0x1c3: {  	_ =	swait.ge @!p0 [sflag:s0], s1  }
0x1c4: {  	s1 =	ssub.s32 @!p0 $0x0, s1;
	[sflag:s0] =	ssyncset.done @!p0 $0x0  }
0x1c5: {  	[sflag:s0] =	ssyncadd.s32 @!p0 s1  }
0x1c6: {  	[bflag:$0x3] =	sbarrier.arrive $0xFFFF  }
0x1c7: {  	_ =	shalt  }

</sc_bundles>
